<compile_context>
chip_gen: v7x
topology: tpu7x:2x2x1
jax: 0.10.2.dev20260603
libtpu: 0.0.44.dev20260713+nightly
codegen_flags: <defaults>
</compile_context>

<pallas_src>
import functools

import jax
import jax.numpy as jnp
from jax import lax
from jax.experimental import pallas as pl
from jax.experimental.pallas import tpu as pltpu
from jax.experimental.pallas import tpu_sc as plsc

N = 10000
E = 320000
D = 128
OUT = 128

NC = 2
NS = 16
NT = NC * NS
CHUNK = 128
KJ = 80
NH = 2
HKJ = KJ // NH
EPAD = NT * KJ * CHUNK
NPAD = 10112
RPT = NPAD // NS

BN = 1000
NB = N // BN

_mesh = plsc.VectorSubcoreMesh(core_axis_name="c", subcore_axis_name="s")


@functools.partial(
    pl.kernel,
    mesh=_mesh,
    out_type=jax.ShapeDtypeStruct((NC, NPAD, 16), jnp.float32),
    scratch_types=[
        pltpu.VMEM((KJ, CHUNK), jnp.int32),
        pltpu.VMEM((CHUNK, 16), jnp.float32),
        pltpu.VMEM_SHARED((NPAD, 16), jnp.float32),
        pltpu.SemaphoreType.DMA,
    ],
)
def _deg_count(dst_hbm, zd_hbm, ones_hbm, d_out, idx_d, ones_v, d_sh, sem):
    c = lax.axis_index("c")
    s = lax.axis_index("s")
    wid = c * NS + s
    pltpu.sync_copy(zd_hbm, d_sh.at[pl.ds(s * RPT, RPT)])
    pltpu.sync_copy(ones_hbm, ones_v)
    pltpu.sync_copy(dst_hbm.at[wid], idx_d)
    plsc.subcore_barrier()

    def body(j, carry):
        pltpu.async_copy(ones_v, d_sh.at[idx_d.at[j]], sem, add=True)
        return carry

    lax.fori_loop(0, KJ, body, 0)

    def drain(j, carry):
        pltpu.make_async_copy(ones_v, d_sh.at[idx_d.at[j]], sem).wait()
        return carry

    lax.fori_loop(0, KJ, drain, 0)
    plsc.subcore_barrier()
    pltpu.sync_copy(d_sh.at[pl.ds(s * RPT, RPT)], d_out.at[c, pl.ds(s * RPT, RPT)])


@functools.partial(
    pl.kernel,
    mesh=_mesh,
    out_type=jax.ShapeDtypeStruct((NC, NPAD, D), jnp.float32),
    scratch_types=[
        pltpu.VMEM((HKJ, CHUNK), jnp.int32),
        pltpu.VMEM((HKJ, CHUNK), jnp.int32),
        pltpu.VMEM((CHUNK, D), jnp.float32),
        pltpu.VMEM((CHUNK, D), jnp.float32),
        pltpu.VMEM_SHARED((NPAD, D), jnp.float32),
        pltpu.SemaphoreType.DMA,
        pltpu.SemaphoreType.DMA,
        pltpu.SemaphoreType.DMA,
        pltpu.SemaphoreType.DMA,
    ],
)
def _seg_sum(x_hbm, src_hbm, dst_hbm, zs_hbm, s_out,
             idx_s, idx_d, r0, r1, s_sh, g0, g1, w0, w1):
    c = lax.axis_index("c")
    s = lax.axis_index("s")
    wid = c * NS + s
    rows = (r0, r1)
    gsem = (g0, g1)
    ssem = (w0, w1)

    pltpu.sync_copy(zs_hbm, s_sh.at[pl.ds(s * RPT, RPT)])
    plsc.subcore_barrier()

    def issue_gather(j, b):
        pltpu.async_copy(x_hbm.at[idx_s.at[j]], rows[b], gsem[b])

    def wait_gather(j, b):
        pltpu.make_async_copy(x_hbm.at[idx_s.at[j]], rows[b], gsem[b]).wait()

    def issue_scatter(j, b):
        pltpu.async_copy(rows[b], s_sh.at[idx_d.at[j]], ssem[b], add=True)

    def wait_scatter(j, b):
        pltpu.make_async_copy(rows[b], s_sh.at[idx_d.at[j]], ssem[b]).wait()

    def half(h, carry):
        pltpu.sync_copy(src_hbm.at[wid, pl.ds(h * HKJ, HKJ)], idx_s)
        pltpu.sync_copy(dst_hbm.at[wid, pl.ds(h * HKJ, HKJ)], idx_d)
        issue_gather(0, 0)
        GMAX = HKJ // 2

        def body(g, carry2):
            j0 = 2 * g
            j1 = j0 + 1

            @pl.when(g >= 1)
            def _():
                wait_scatter(j1 - 2, 1)

            issue_gather(j1, 1)
            wait_gather(j0, 0)
            issue_scatter(j0, 0)
            wait_gather(j1, 1)
            issue_scatter(j1, 1)

            @pl.when(g < GMAX - 1)
            def _():
                wait_scatter(j0, 0)
                issue_gather(j0 + 2, 0)

            return carry2

        lax.fori_loop(0, GMAX, body, carry)
        wait_scatter(HKJ - 2, 0)
        wait_scatter(HKJ - 1, 1)
        return carry

    lax.fori_loop(0, NH, half, 0)
    plsc.subcore_barrier()
    pltpu.sync_copy(s_sh.at[pl.ds(s * RPT, RPT)], s_out.at[c, pl.ds(s * RPT, RPT)])


def _layer_body(x_ref, s_ref, deg_ref, wm_ref, bm_ref, wa_ref, ba_ref,
                wb_ref, bb_ref, out_ref):
    agg = s_ref[0] + s_ref[1]
    deg = deg_ref[0, :, 0] + deg_ref[1, :, 0]
    aggr = jnp.dot(agg, wm_ref[...], preferred_element_type=jnp.float32)
    aggr = aggr + deg[:, None] * bm_ref[...]
    h = (jnp.dot(x_ref[...], wa_ref[:D], preferred_element_type=jnp.float32)
         + jnp.dot(aggr, wa_ref[D:], preferred_element_type=jnp.float32)
         + ba_ref[...])
    h = jnp.maximum(h, 0.0)
    out_ref[...] = jnp.dot(h, wb_ref[...], preferred_element_type=jnp.float32) + bb_ref[...]


_tc_layer = pl.pallas_call(
    _layer_body,
    grid=(NB,),
    in_specs=[
        pl.BlockSpec((BN, D), lambda i: (i, 0)),
        pl.BlockSpec((NC, BN, D), lambda i: (0, i, 0)),
        pl.BlockSpec((NC, BN, 16), lambda i: (0, i, 0)),
        pl.BlockSpec((D, D), lambda i: (0, 0)),
        pl.BlockSpec((1, D), lambda i: (0, 0)),
        pl.BlockSpec((2 * D, D), lambda i: (0, 0)),
        pl.BlockSpec((1, D), lambda i: (0, 0)),
        pl.BlockSpec((D, D), lambda i: (0, 0)),
        pl.BlockSpec((1, D), lambda i: (0, 0)),
    ],
    out_specs=pl.BlockSpec((BN, D), lambda i: (i, 0)),
    out_shape=jax.ShapeDtypeStruct((N, D), jnp.float32),
)


def _layer_pool_body(x_ref, s_ref, deg_ref, wm_ref, bm_ref, wa_ref, ba_ref,
                     wb_ref, bb_ref, wo_ref, bo_ref, out_ref, acc_ref):
    agg = s_ref[0] + s_ref[1]
    deg = deg_ref[0, :, 0] + deg_ref[1, :, 0]
    aggr = jnp.dot(agg, wm_ref[...], preferred_element_type=jnp.float32)
    aggr = aggr + deg[:, None] * bm_ref[...]
    h = (jnp.dot(x_ref[...], wa_ref[:D], preferred_element_type=jnp.float32)
         + jnp.dot(aggr, wa_ref[D:], preferred_element_type=jnp.float32)
         + ba_ref[...])
    h = jnp.maximum(h, 0.0)
    y = jnp.dot(h, wb_ref[...], preferred_element_type=jnp.float32) + bb_ref[...]
    i = pl.program_id(0)

    @pl.when(i == 0)
    def _():
        acc_ref[...] = jnp.zeros_like(acc_ref)

    acc_ref[...] += jnp.sum(y, axis=0, keepdims=True)

    @pl.when(i == NB - 1)
    def _():
        pooled = acc_ref[...] * (1.0 / N)
        out_ref[...] = (jnp.dot(pooled, wo_ref[...],
                                preferred_element_type=jnp.float32)
                        + bo_ref[...])


_tc_layer_pool = pl.pallas_call(
    _layer_pool_body,
    grid=(NB,),
    in_specs=[
        pl.BlockSpec((BN, D), lambda i: (i, 0)),
        pl.BlockSpec((NC, BN, D), lambda i: (0, i, 0)),
        pl.BlockSpec((NC, BN, 16), lambda i: (0, i, 0)),
        pl.BlockSpec((D, D), lambda i: (0, 0)),
        pl.BlockSpec((1, D), lambda i: (0, 0)),
        pl.BlockSpec((2 * D, D), lambda i: (0, 0)),
        pl.BlockSpec((1, D), lambda i: (0, 0)),
        pl.BlockSpec((D, D), lambda i: (0, 0)),
        pl.BlockSpec((1, D), lambda i: (0, 0)),
        pl.BlockSpec((D, OUT), lambda i: (0, 0)),
        pl.BlockSpec((1, OUT), lambda i: (0, 0)),
    ],
    out_specs=pl.BlockSpec((1, OUT), lambda i: (0, 0)),
    out_shape=jax.ShapeDtypeStruct((1, OUT), jnp.float32),
    scratch_shapes=[pltpu.VMEM((1, OUT), jnp.float32)],
)


def kernel(x, edge_index, batch, W_m1, b_m1, W_u1a, b_u1a, W_u1b, b_u1b,
           W_m2, b_m2, W_u2a, b_u2a, W_u2b, b_u2b, W_out, b_out):
    src = edge_index[0]
    dst = edge_index[1]
    pad = EPAD - E
    pad_idx = jnp.arange(pad, dtype=jnp.int32)
    pad_dst = N + (pad_idx % (NPAD - N))
    pad_src = (pad_idx * 79) % N
    srcr = jnp.concatenate([src, pad_src]).reshape(NT, KJ, CHUNK)
    dstr = jnp.concatenate([dst, pad_dst]).reshape(NT, KJ, CHUNK)
    zs = jnp.zeros((RPT, D), jnp.float32)
    zd = jnp.zeros((RPT, 16), jnp.float32)
    ones = jnp.ones((CHUNK, 16), jnp.float32)

    deg = _deg_count(dstr, zd, ones)
    s1 = _seg_sum(x, srcr, dstr, zs)
    h1 = _tc_layer(x, s1, deg, W_m1, b_m1.reshape(1, D), W_u1a,
                   b_u1a.reshape(1, D), W_u1b, b_u1b.reshape(1, D))
    s2 = _seg_sum(h1, srcr, dstr, zs)
    return _tc_layer_pool(h1, s2, deg, W_m2, b_m2.reshape(1, D), W_u2a,
                          b_u2a.reshape(1, D), W_u2b, b_u2b.reshape(1, D),
                          W_out, b_out.reshape(1, OUT))

# --- scband reference (transcript-rebuilt; emitter-appended) ---
"""Pipeline reference for scband-graph-net-24395414242165 (READ-ONLY COPY).

The authoritative reference and input builder live on the scoring server;
editing this copy changes nothing except your own understanding.
"""

import jax, jax.numpy as jnp
import numpy as np

N = 10000
E = 320000
D = 128
OUT = 128


def _mp_layer(x, edge_index, W_m, b_m, W_ua, b_ua, W_ub, b_ub):
    # CustomMessagePassing(message_op='gcn', update_op='mlp', aggregation_op='sum')
    src = edge_index[0]
    dst = edge_index[1]
    x_j = jnp.take(x, src, axis=0)            # gather source node feats
    msg = x_j @ W_m + b_m                      # gcn message: Linear(in, out) on x_j
    aggr = jax.ops.segment_sum(msg, dst, num_segments=N)  # sum aggregation at dst
    h = jnp.concatenate([x, aggr], axis=-1)    # mlp update on cat([x, aggr])
    h = jax.nn.relu(h @ W_ua + b_ua)
    return h @ W_ub + b_ub


def setup_inputs(seed: int = 0) -> dict:
    key = jax.random.key(seed)
    ks = jax.random.split(key, 12)
    s1 = 1.0 / np.sqrt(D)
    s2 = 1.0 / np.sqrt(2 * D)
    return {
        "x": jax.random.normal(ks[0], (N, D), dtype=jnp.float32),
        "edge_index": jax.random.randint(ks[1], (2, E), 0, N, dtype=jnp.int32),
        "batch": jnp.zeros((N,), dtype=jnp.int32),
        "W_m1": jax.random.normal(ks[2], (D, D), dtype=jnp.float32) * s1,
        "b_m1": jnp.zeros((D,), dtype=jnp.float32),
        "W_u1a": jax.random.normal(ks[3], (2 * D, D), dtype=jnp.float32) * s2,
        "b_u1a": jnp.zeros((D,), dtype=jnp.float32),
        "W_u1b": jax.random.normal(ks[4], (D, D), dtype=jnp.float32) * s1,
        "b_u1b": jnp.zeros((D,), dtype=jnp.float32),
        "W_m2": jax.random.normal(ks[5], (D, D), dtype=jnp.float32) * s1,
        "b_m2": jnp.zeros((D,), dtype=jnp.float32),
        "W_u2a": jax.random.normal(ks[6], (2 * D, D), dtype=jnp.float32) * s2,
        "b_u2a": jnp.zeros((D,), dtype=jnp.float32),
        "W_u2b": jax.random.normal(ks[7], (D, D), dtype=jnp.float32) * s1,
        "b_u2b": jnp.zeros((D,), dtype=jnp.float32),
        "W_out": jax.random.normal(ks[8], (D, OUT), dtype=jnp.float32) * s1,
        "b_out": jnp.zeros((OUT,), dtype=jnp.float32),
    }


def reference(x, edge_index, batch, W_m1, b_m1, W_u1a, b_u1a, W_u1b, b_u1b,
              W_m2, b_m2, W_u2a, b_u2a, W_u2b, b_u2b, W_out, b_out):
    # GraphNet.forward with fixed architecture:
    #   num_layers=2, hidden_dims=[128,128,128], message_ops=['gcn','gcn'],
    #   update_ops=['mlp','mlp'], aggregation_ops=['sum','sum'], pooling='global_mean'
    # dropout is inactive in eval mode; x.size(1)==hidden_dims[0] so no input projection.
    h = _mp_layer(x, edge_index, W_m1, b_m1, W_u1a, b_u1a, W_u1b, b_u1b)
    h = _mp_layer(h, edge_index, W_m2, b_m2, W_u2a, b_u2a, W_u2b, b_u2b)
    num_graphs = 1
    sums = jax.ops.segment_sum(h, batch, num_segments=num_graphs)
    counts = jax.ops.segment_sum(jnp.ones((N, 1), jnp.float32), batch, num_segments=num_graphs)
    pooled = sums / jnp.maximum(counts, 1.0)   # global_mean pool
    return pooled @ W_out + b_out              # final Linear(hidden_dims[-1], out_channels)

if __name__ == "__main__":
    import jax
    _d = setup_inputs()
    print(jax.jit(kernel)(*tuple(_d.values())))

</pallas_src>

<mosaic_0001>
#map = affine_map<(d0, d1) -> (0, 0)>
#map1 = affine_map<(d0, d1) -> (0, 0, 0)>
module attributes {stable_mosaic.version = 14 : i64} {
  func.func @_seg_sum(%arg0: i32, %arg1: i32, %arg2: memref<10000x128xf32, #tpu.memory_space<hbm>>, %arg3: memref<32x80x128xi32, #tpu.memory_space<hbm>>, %arg4: memref<32x80x128xi32, #tpu.memory_space<hbm>>, %arg5: memref<632x128xf32, #tpu.memory_space<hbm>>, %arg6: memref<2x10112x128xf32, #tpu.memory_space<hbm>>, %arg7: memref<40x128xi32, #tpu.memory_space<vmem>>, %arg8: memref<40x128xi32, #tpu.memory_space<vmem>>, %arg9: memref<128x128xf32, #tpu.memory_space<vmem>>, %arg10: memref<128x128xf32, #tpu.memory_space<vmem>>, %arg11: memref<10112x128xf32, #tpu.memory_space<vmem_shared>>, %arg12: memref<!tpu.dma_semaphore, #tpu.memory_space<semaphore_mem>>, %arg13: memref<!tpu.dma_semaphore, #tpu.memory_space<semaphore_mem>>, %arg14: memref<!tpu.dma_semaphore, #tpu.memory_space<semaphore_mem>>, %arg15: memref<!tpu.dma_semaphore, #tpu.memory_space<semaphore_mem>>) attributes {dimension_semantics = [#tpu.dimension_semantics<core_parallel>, #tpu.dimension_semantics<subcore_parallel>], iteration_bounds = array<i64: 2, 16>, scalar_prefetch = 0 : i64, scratch_operands = 9 : i64, tpu.core_type = #tpu.core_type<sc_vector_subcore>, window_params = [{transform_indices = #map}, {transform_indices = #map1}, {transform_indices = #map1}, {transform_indices = #map}, {transform_indices = #map1}]} {
    %mul3A = arith.constant 16 : i32
    %mul3A_0 = arith.muli %arg0, %mul3A : i32
    %add3A = arith.addi %mul3A_0, %arg1 : i32
    %mul3A_1 = arith.constant 632 : i32
    %mul3A_2 = arith.muli %arg1, %mul3A_1 : i32
    "tpu.region"() ({
      %run_scoped3A = tpu.sem_alloc : memref<!tpu.dma_semaphore, #tpu.memory_space<semaphore_mem>>
      %dma_start3A = arith.constant 0 : i32
      %dma_start3A_13 = tpu.memref_slice %arg11[%mul3A_2, %dma_start3A] : memref<10112x128xf32, #tpu.memory_space<vmem_shared>> -> memref<632x128xf32, #tpu.memory_space<vmem_shared>>
      tpu.enqueue_dma source(%arg5 : memref<632x128xf32, #tpu.memory_space<hbm>>) target(%dma_start3A_13 : memref<632x128xf32, #tpu.memory_space<vmem_shared>>) target_semaphore(%run_scoped3A : memref<!tpu.dma_semaphore, #tpu.memory_space<semaphore_mem>>)
      %dma_wait3A = arith.constant 0 : i32
      %dma_wait3A_14 = tpu.memref_slice %arg11[%mul3A_2, %dma_wait3A] : memref<10112x128xf32, #tpu.memory_space<vmem_shared>> -> memref<632x128xf32, #tpu.memory_space<vmem_shared>>
      tpu.wait_dma2 semaphore(%run_scoped3A : memref<!tpu.dma_semaphore, #tpu.memory_space<semaphore_mem>>) src(%arg5 : memref<632x128xf32, #tpu.memory_space<hbm>>) dst(%dma_wait3A_14 : memref<632x128xf32, #tpu.memory_space<vmem_shared>>)
      tpu.yield
    }) : () -> ()
    %barrier3A = arith.constant 0 : index
    tpu.barrier barrier_id(%barrier3A)
    %scan3A = arith.constant 0 : i32
    %scan3A_3 = arith.constant 0 : i32
    %scan3A_4 = arith.constant 2 : i32
    %scan3A_5 = arith.addi %scan3A_3, %scan3A_4 : i32
    %scan3A_6 = arith.constant 1 : i32
    scf.for %scan3A_13 = %scan3A_3 to %scan3A_5 step %scan3A_6  : i32 {
      %mul3A_14 = arith.constant 40 : i32
      %mul3A_15 = arith.muli %scan3A_13, %mul3A_14 : i32
      "tpu.region"() ({
        %run_scoped3A = tpu.sem_alloc : memref<!tpu.dma_semaphore, #tpu.memory_space<semaphore_mem>>
        %dma_start3A_42 = arith.constant 0 : i32
        %dma_start3A_43 = tpu.memref_slice %arg3[%add3A, %mul3A_15, %dma_start3A_42] : memref<32x80x128xi32, #tpu.memory_space<hbm>> -> memref<1x40x128xi32, #tpu.memory_space<hbm>>
        %dma_start3A_44 = tpu.memref_squeeze %dma_start3A_43 : memref<1x40x128xi32, #tpu.memory_space<hbm>> -> memref<40x128xi32, #tpu.memory_space<hbm>>
        %dma_start3A_45 = arith.constant 0 : i32
        %dma_start3A_46 = tpu.memref_slice %arg3[%add3A, %mul3A_15, %dma_start3A_45] : memref<32x80x128xi32, #tpu.memory_space<hbm>> -> memref<1x40x128xi32, #tpu.memory_space<hbm>>
        %dma_start3A_47 = tpu.memref_squeeze %dma_start3A_46 : memref<1x40x128xi32, #tpu.memory_space<hbm>> -> memref<40x128xi32, #tpu.memory_space<hbm>>
        tpu.enqueue_dma source(%dma_start3A_47 : memref<40x128xi32, #tpu.memory_space<hbm>>) target(%arg7 : memref<40x128xi32, #tpu.memory_space<vmem>>) target_semaphore(%run_scoped3A : memref<!tpu.dma_semaphore, #tpu.memory_space<semaphore_mem>>)
        %dma_wait3A_48 = arith.constant 0 : i32
        %dma_wait3A_49 = tpu.memref_slice %arg3[%add3A, %mul3A_15, %dma_wait3A_48] : memref<32x80x128xi32, #tpu.memory_space<hbm>> -> memref<1x40x128xi32, #tpu.memory_space<hbm>>
        %dma_wait3A_50 = tpu.memref_squeeze %dma_wait3A_49 : memref<1x40x128xi32, #tpu.memory_space<hbm>> -> memref<40x128xi32, #tpu.memory_space<hbm>>
        %dma_wait3A_51 = arith.constant 0 : i32
        %dma_wait3A_52 = tpu.memref_slice %arg3[%add3A, %mul3A_15, %dma_wait3A_51] : memref<32x80x128xi32, #tpu.memory_space<hbm>> -> memref<1x40x128xi32, #tpu.memory_space<hbm>>
        %dma_wait3A_53 = tpu.memref_squeeze %dma_wait3A_52 : memref<1x40x128xi32, #tpu.memory_space<hbm>> -> memref<40x128xi32, #tpu.memory_space<hbm>>
        tpu.wait_dma2 semaphore(%run_scoped3A : memref<!tpu.dma_semaphore, #tpu.memory_space<semaphore_mem>>) src(%dma_wait3A_53 : memref<40x128xi32, #tpu.memory_space<hbm>>) dst(%arg7 : memref<40x128xi32, #tpu.memory_space<vmem>>)
        tpu.yield
      }) : () -> ()
      %mul3A_16 = arith.constant 40 : i32
      %mul3A_17 = arith.muli %scan3A_13, %mul3A_16 : i32
      "tpu.region"() ({
        %run_scoped3A = tpu.sem_alloc : memref<!tpu.dma_semaphore, #tpu.memory_space<semaphore_mem>>
        %dma_start3A_42 = arith.constant 0 : i32
        %dma_start3A_43 = tpu.memref_slice %arg4[%add3A, %mul3A_17, %dma_start3A_42] : memref<32x80x128xi32, #tpu.memory_space<hbm>> -> memref<1x40x128xi32, #tpu.memory_space<hbm>>
        %dma_start3A_44 = tpu.memref_squeeze %dma_start3A_43 : memref<1x40x128xi32, #tpu.memory_space<hbm>> -> memref<40x128xi32, #tpu.memory_space<hbm>>
        %dma_start3A_45 = arith.constant 0 : i32
        %dma_start3A_46 = tpu.memref_slice %arg4[%add3A, %mul3A_17, %dma_start3A_45] : memref<32x80x128xi32, #tpu.memory_space<hbm>> -> memref<1x40x128xi32, #tpu.memory_space<hbm>>
        %dma_start3A_47 = tpu.memref_squeeze %dma_start3A_46 : memref<1x40x128xi32, #tpu.memory_space<hbm>> -> memref<40x128xi32, #tpu.memory_space<hbm>>
        tpu.enqueue_dma source(%dma_start3A_47 : memref<40x128xi32, #tpu.memory_space<hbm>>) target(%arg8 : memref<40x128xi32, #tpu.memory_space<vmem>>) target_semaphore(%run_scoped3A : memref<!tpu.dma_semaphore, #tpu.memory_space<semaphore_mem>>)
        %dma_wait3A_48 = arith.constant 0 : i32
        %dma_wait3A_49 = tpu.memref_slice %arg4[%add3A, %mul3A_17, %dma_wait3A_48] : memref<32x80x128xi32, #tpu.memory_space<hbm>> -> memref<1x40x128xi32, #tpu.memory_space<hbm>>
        %dma_wait3A_50 = tpu.memref_squeeze %dma_wait3A_49 : memref<1x40x128xi32, #tpu.memory_space<hbm>> -> memref<40x128xi32, #tpu.memory_space<hbm>>
        %dma_wait3A_51 = arith.constant 0 : i32
        %dma_wait3A_52 = tpu.memref_slice %arg4[%add3A, %mul3A_17, %dma_wait3A_51] : memref<32x80x128xi32, #tpu.memory_space<hbm>> -> memref<1x40x128xi32, #tpu.memory_space<hbm>>
        %dma_wait3A_53 = tpu.memref_squeeze %dma_wait3A_52 : memref<1x40x128xi32, #tpu.memory_space<hbm>> -> memref<40x128xi32, #tpu.memory_space<hbm>>
        tpu.wait_dma2 semaphore(%run_scoped3A : memref<!tpu.dma_semaphore, #tpu.memory_space<semaphore_mem>>) src(%dma_wait3A_53 : memref<40x128xi32, #tpu.memory_space<hbm>>) dst(%arg8 : memref<40x128xi32, #tpu.memory_space<vmem>>)
        tpu.yield
      }) : () -> ()
      %dma_start3A = arith.constant 0 : i32
      %dma_start3A_18 = arith.constant 0 : i32
      %dma_start3A_19 = tpu.memref_slice %arg7[%dma_start3A, %dma_start3A_18] : memref<40x128xi32, #tpu.memory_space<vmem>> -> memref<1x128xi32, #tpu.memory_space<vmem>>
      %dma_start3A_20 = tpu.memref_squeeze %dma_start3A_19 : memref<1x128xi32, #tpu.memory_space<vmem>> -> memref<128xi32, #tpu.memory_space<vmem>>
      %dma_start3A_21 = arith.constant 0 : i32
      %dma_start3A_22 = arith.constant 0 : i32
      %dma_start3A_23 = tpu.memref_slice %arg2[%dma_start3A_21, %dma_start3A_22] : memref<10000x128xf32, #tpu.memory_space<hbm>> -> memref<10000x128xf32, #tpu.memory_space<hbm>>
      tpu.enqueue_indirect_dma source(%dma_start3A_23 : memref<10000x128xf32, #tpu.memory_space<hbm>>) target(%arg9 : memref<128x128xf32, #tpu.memory_space<vmem>>) offsets(%dma_start3A_20 : memref<128xi32, #tpu.memory_space<vmem>>) semaphore(%arg12 : memref<!tpu.dma_semaphore, #tpu.memory_space<semaphore_mem>>)
      %scan3A_24 = arith.constant 0 : i32
      %scan3A_25 = arith.constant 20 : i32
      %scan3A_26 = arith.addi %scan3A_24, %scan3A_25 : i32
      %scan3A_27 = arith.constant 1 : i32
      scf.for %scan3A_42 = %scan3A_24 to %scan3A_26 step %scan3A_27  : i32 {
        %mul3A_43 = arith.constant 2 : i32
        %mul3A_44 = arith.muli %mul3A_43, %scan3A_42 : i32
        %add3A_45 = arith.constant 1 : i32
        %add3A_46 = arith.addi %mul3A_44, %add3A_45 : i32
        %ge3A = arith.constant 1 : i32
        %ge3A_47 = arith.cmpi sge, %scan3A_42, %ge3A : i32
        %convert_element_type3A = arith.extui %ge3A_47 : i1 to i32
        %cond3A = arith.constant 0 : i32
        %cond3A_48 = arith.cmpi ne, %convert_element_type3A, %cond3A : i32
        scf.if %cond3A_48 {
          %sub3A = arith.constant 2 : i32
          %sub3A_83 = arith.subi %add3A_46, %sub3A : i32
          %dma_wait3A_84 = arith.constant 0 : i32
          %dma_wait3A_85 = tpu.memref_slice %arg8[%sub3A_83, %dma_wait3A_84] : memref<40x128xi32, #tpu.memory_space<vmem>> -> memref<1x128xi32, #tpu.memory_space<vmem>>
          %dma_wait3A_86 = tpu.memref_squeeze %dma_wait3A_85 : memref<1x128xi32, #tpu.memory_space<vmem>> -> memref<128xi32, #tpu.memory_space<vmem>>
          %dma_wait3A_87 = arith.constant 0 : i32
          %dma_wait3A_88 = arith.constant 0 : i32
          %dma_wait3A_89 = tpu.memref_slice %arg11[%dma_wait3A_87, %dma_wait3A_88] : memref<10112x128xf32, #tpu.memory_space<vmem_shared>> -> memref<10112x128xf32, #tpu.memory_space<vmem_shared>>
          tpu.wait_indirect_dma semaphore(%arg15 : memref<!tpu.dma_semaphore, #tpu.memory_space<semaphore_mem>>) src(%arg10 : memref<128x128xf32, #tpu.memory_space<vmem>>) dst(%dma_wait3A_89 : memref<10112x128xf32, #tpu.memory_space<vmem_shared>>)
        } else {
        }
        %dma_start3A_49 = arith.constant 0 : i32
        %dma_start3A_50 = tpu.memref_slice %arg7[%add3A_46, %dma_start3A_49] : memref<40x128xi32, #tpu.memory_space<vmem>> -> memref<1x128xi32, #tpu.memory_space<vmem>>
        %dma_start3A_51 = tpu.memref_squeeze %dma_start3A_50 : memref<1x128xi32, #tpu.memory_space<vmem>> -> memref<128xi32, #tpu.memory_space<vmem>>
        %dma_start3A_52 = arith.constant 0 : i32
        %dma_start3A_53 = arith.constant 0 : i32
        %dma_start3A_54 = tpu.memref_slice %arg2[%dma_start3A_52, %dma_start3A_53] : memref<10000x128xf32, #tpu.memory_space<hbm>> -> memref<10000x128xf32, #tpu.memory_space<hbm>>
        tpu.enqueue_indirect_dma source(%dma_start3A_54 : memref<10000x128xf32, #tpu.memory_space<hbm>>) target(%arg10 : memref<128x128xf32, #tpu.memory_space<vmem>>) offsets(%dma_start3A_51 : memref<128xi32, #tpu.memory_space<vmem>>) semaphore(%arg13 : memref<!tpu.dma_semaphore, #tpu.memory_space<semaphore_mem>>)
        %dma_wait3A_55 = arith.constant 0 : i32
        %dma_wait3A_56 = tpu.memref_slice %arg7[%mul3A_44, %dma_wait3A_55] : memref<40x128xi32, #tpu.memory_space<vmem>> -> memref<1x128xi32, #tpu.memory_space<vmem>>
        %dma_wait3A_57 = tpu.memref_squeeze %dma_wait3A_56 : memref<1x128xi32, #tpu.memory_space<vmem>> -> memref<128xi32, #tpu.memory_space<vmem>>
        %dma_wait3A_58 = arith.constant 0 : i32
        %dma_wait3A_59 = arith.constant 0 : i32
        %dma_wait3A_60 = tpu.memref_slice %arg2[%dma_wait3A_58, %dma_wait3A_59] : memref<10000x128xf32, #tpu.memory_space<hbm>> -> memref<10000x128xf32, #tpu.memory_space<hbm>>
        tpu.wait_indirect_dma semaphore(%arg12 : memref<!tpu.dma_semaphore, #tpu.memory_space<semaphore_mem>>) src(%dma_wait3A_60 : memref<10000x128xf32, #tpu.memory_space<hbm>>) dst(%arg9 : memref<128x128xf32, #tpu.memory_space<vmem>>)
        %dma_start3A_61 = arith.constant 0 : i32
        %dma_start3A_62 = tpu.memref_slice %arg8[%mul3A_44, %dma_start3A_61] : memref<40x128xi32, #tpu.memory_space<vmem>> -> memref<1x128xi32, #tpu.memory_space<vmem>>
        %dma_start3A_63 = tpu.memref_squeeze %dma_start3A_62 : memref<1x128xi32, #tpu.memory_space<vmem>> -> memref<128xi32, #tpu.memory_space<vmem>>
        %dma_start3A_64 = arith.constant 0 : i32
        %dma_start3A_65 = arith.constant 0 : i32
        %dma_start3A_66 = tpu.memref_slice %arg11[%dma_start3A_64, %dma_start3A_65] : memref<10112x128xf32, #tpu.memory_space<vmem_shared>> -> memref<10112x128xf32, #tpu.memory_space<vmem_shared>>
        tpu.enqueue_indirect_dma source(%arg9 : memref<128x128xf32, #tpu.memory_space<vmem>>) target(%dma_start3A_66 : memref<10112x128xf32, #tpu.memory_space<vmem_shared>>) offsets(%dma_start3A_63 : memref<128xi32, #tpu.memory_space<vmem>>) semaphore(%arg14 : memref<!tpu.dma_semaphore, #tpu.memory_space<semaphore_mem>>) {add = true}
        %dma_wait3A_67 = arith.constant 0 : i32
        %dma_wait3A_68 = tpu.memref_slice %arg7[%add3A_46, %dma_wait3A_67] : memref<40x128xi32, #tpu.memory_space<vmem>> -> memref<1x128xi32, #tpu.memory_space<vmem>>
        %dma_wait3A_69 = tpu.memref_squeeze %dma_wait3A_68 : memref<1x128xi32, #tpu.memory_space<vmem>> -> memref<128xi32, #tpu.memory_space<vmem>>
        %dma_wait3A_70 = arith.constant 0 : i32
        %dma_wait3A_71 = arith.constant 0 : i32
        %dma_wait3A_72 = tpu.memref_slice %arg2[%dma_wait3A_70, %dma_wait3A_71] : memref<10000x128xf32, #tpu.memory_space<hbm>> -> memref<10000x128xf32, #tpu.memory_space<hbm>>
        tpu.wait_indirect_dma semaphore(%arg13 : memref<!tpu.dma_semaphore, #tpu.memory_space<semaphore_mem>>) src(%dma_wait3A_72 : memref<10000x128xf32, #tpu.memory_space<hbm>>) dst(%arg10 : memref<128x128xf32, #tpu.memory_space<vmem>>)
        %dma_start3A_73 = arith.constant 0 : i32
        %dma_start3A_74 = tpu.memref_slice %arg8[%add3A_46, %dma_start3A_73] : memref<40x128xi32, #tpu.memory_space<vmem>> -> memref<1x128xi32, #tpu.memory_space<vmem>>
        %dma_start3A_75 = tpu.memref_squeeze %dma_start3A_74 : memref<1x128xi32, #tpu.memory_space<vmem>> -> memref<128xi32, #tpu.memory_space<vmem>>
        %dma_start3A_76 = arith.constant 0 : i32
        %dma_start3A_77 = arith.constant 0 : i32
        %dma_start3A_78 = tpu.memref_slice %arg11[%dma_start3A_76, %dma_start3A_77] : memref<10112x128xf32, #tpu.memory_space<vmem_shared>> -> memref<10112x128xf32, #tpu.memory_space<vmem_shared>>
        tpu.enqueue_indirect_dma source(%arg10 : memref<128x128xf32, #tpu.memory_space<vmem>>) target(%dma_start3A_78 : memref<10112x128xf32, #tpu.memory_space<vmem_shared>>) offsets(%dma_start3A_75 : memref<128xi32, #tpu.memory_space<vmem>>) semaphore(%arg15 : memref<!tpu.dma_semaphore, #tpu.memory_space<semaphore_mem>>) {add = true}
        %lt3A = arith.constant 19 : i32
        %lt3A_79 = arith.cmpi slt, %scan3A_42, %lt3A : i32
        %convert_element_type3A_80 = arith.extui %lt3A_79 : i1 to i32
        %cond3A_81 = arith.constant 0 : i32
        %cond3A_82 = arith.cmpi ne, %convert_element_type3A_80, %cond3A_81 : i32
        scf.if %cond3A_82 {
          %dma_wait3A_83 = arith.constant 0 : i32
          %dma_wait3A_84 = tpu.memref_slice %arg8[%mul3A_44, %dma_wait3A_83] : memref<40x128xi32, #tpu.memory_space<vmem>> -> memref<1x128xi32, #tpu.memory_space<vmem>>
          %dma_wait3A_85 = tpu.memref_squeeze %dma_wait3A_84 : memref<1x128xi32, #tpu.memory_space<vmem>> -> memref<128xi32, #tpu.memory_space<vmem>>
          %dma_wait3A_86 = arith.constant 0 : i32
          %dma_wait3A_87 = arith.constant 0 : i32
          %dma_wait3A_88 = tpu.memref_slice %arg11[%dma_wait3A_86, %dma_wait3A_87] : memref<10112x128xf32, #tpu.memory_space<vmem_shared>> -> memref<10112x128xf32, #tpu.memory_space<vmem_shared>>
          tpu.wait_indirect_dma semaphore(%arg14 : memref<!tpu.dma_semaphore, #tpu.memory_space<semaphore_mem>>) src(%arg9 : memref<128x128xf32, #tpu.memory_space<vmem>>) dst(%dma_wait3A_88 : memref<10112x128xf32, #tpu.memory_space<vmem_shared>>)
          %add3A_89 = arith.constant 2 : i32
          %add3A_90 = arith.addi %mul3A_44, %add3A_89 : i32
          %dma_start3A_91 = arith.constant 0 : i32
          %dma_start3A_92 = tpu.memref_slice %arg7[%add3A_90, %dma_start3A_91] : memref<40x128xi32, #tpu.memory_space<vmem>> -> memref<1x128xi32, #tpu.memory_space<vmem>>
          %dma_start3A_93 = tpu.memref_squeeze %dma_start3A_92 : memref<1x128xi32, #tpu.memory_space<vmem>> -> memref<128xi32, #tpu.memory_space<vmem>>
          %dma_start3A_94 = arith.constant 0 : i32
          %dma_start3A_95 = arith.constant 0 : i32
          %dma_start3A_96 = tpu.memref_slice %arg2[%dma_start3A_94, %dma_start3A_95] : memref<10000x128xf32, #tpu.memory_space<hbm>> -> memref<10000x128xf32, #tpu.memory_space<hbm>>
          tpu.enqueue_indirect_dma source(%dma_start3A_96 : memref<10000x128xf32, #tpu.memory_space<hbm>>) target(%arg9 : memref<128x128xf32, #tpu.memory_space<vmem>>) offsets(%dma_start3A_93 : memref<128xi32, #tpu.memory_space<vmem>>) semaphore(%arg12 : memref<!tpu.dma_semaphore, #tpu.memory_space<semaphore_mem>>)
        } else {
        }
      }
      %scan3A_28 = arith.constant 20 : i32
      %dma_wait3A = arith.constant 38 : i32
      %dma_wait3A_29 = arith.constant 0 : i32
      %dma_wait3A_30 = tpu.memref_slice %arg8[%dma_wait3A, %dma_wait3A_29] : memref<40x128xi32, #tpu.memory_space<vmem>> -> memref<1x128xi32, #tpu.memory_space<vmem>>
      %dma_wait3A_31 = tpu.memref_squeeze %dma_wait3A_30 : memref<1x128xi32, #tpu.memory_space<vmem>> -> memref<128xi32, #tpu.memory_space<vmem>>
      %dma_wait3A_32 = arith.constant 0 : i32
      %dma_wait3A_33 = arith.constant 0 : i32
      %dma_wait3A_34 = tpu.memref_slice %arg11[%dma_wait3A_32, %dma_wait3A_33] : memref<10112x128xf32, #tpu.memory_space<vmem_shared>> -> memref<10112x128xf32, #tpu.memory_space<vmem_shared>>
      tpu.wait_indirect_dma semaphore(%arg14 : memref<!tpu.dma_semaphore, #tpu.memory_space<semaphore_mem>>) src(%arg9 : memref<128x128xf32, #tpu.memory_space<vmem>>) dst(%dma_wait3A_34 : memref<10112x128xf32, #tpu.memory_space<vmem_shared>>)
      %dma_wait3A_35 = arith.constant 39 : i32
      %dma_wait3A_36 = arith.constant 0 : i32
      %dma_wait3A_37 = tpu.memref_slice %arg8[%dma_wait3A_35, %dma_wait3A_36] : memref<40x128xi32, #tpu.memory_space<vmem>> -> memref<1x128xi32, #tpu.memory_space<vmem>>
      %dma_wait3A_38 = tpu.memref_squeeze %dma_wait3A_37 : memref<1x128xi32, #tpu.memory_space<vmem>> -> memref<128xi32, #tpu.memory_space<vmem>>
      %dma_wait3A_39 = arith.constant 0 : i32
      %dma_wait3A_40 = arith.constant 0 : i32
      %dma_wait3A_41 = tpu.memref_slice %arg11[%dma_wait3A_39, %dma_wait3A_40] : memref<10112x128xf32, #tpu.memory_space<vmem_shared>> -> memref<10112x128xf32, #tpu.memory_space<vmem_shared>>
      tpu.wait_indirect_dma semaphore(%arg15 : memref<!tpu.dma_semaphore, #tpu.memory_space<semaphore_mem>>) src(%arg10 : memref<128x128xf32, #tpu.memory_space<vmem>>) dst(%dma_wait3A_41 : memref<10112x128xf32, #tpu.memory_space<vmem_shared>>)
    }
    %scan3A_7 = arith.constant 2 : i32
    %barrier3A_8 = arith.constant 0 : index
    tpu.barrier barrier_id(%barrier3A_8)
    %mul3A_9 = arith.constant 632 : i32
    %mul3A_10 = arith.muli %arg1, %mul3A_9 : i32
    %mul3A_11 = arith.constant 632 : i32
    %mul3A_12 = arith.muli %arg1, %mul3A_11 : i32
    "tpu.region"() ({
      %run_scoped3A = tpu.sem_alloc : memref<!tpu.dma_semaphore, #tpu.memory_space<semaphore_mem>>
      %dma_start3A = arith.constant 0 : i32
      %dma_start3A_13 = tpu.memref_slice %arg6[%arg0, %mul3A_12, %dma_start3A] : memref<2x10112x128xf32, #tpu.memory_space<hbm>> -> memref<1x632x128xf32, #tpu.memory_space<hbm>>
      %dma_start3A_14 = tpu.memref_squeeze %dma_start3A_13 : memref<1x632x128xf32, #tpu.memory_space<hbm>> -> memref<632x128xf32, #tpu.memory_space<hbm>>
      %dma_start3A_15 = arith.constant 0 : i32
      %dma_start3A_16 = tpu.memref_slice %arg11[%mul3A_10, %dma_start3A_15] : memref<10112x128xf32, #tpu.memory_space<vmem_shared>> -> memref<632x128xf32, #tpu.memory_space<vmem_shared>>
      tpu.enqueue_dma source(%dma_start3A_16 : memref<632x128xf32, #tpu.memory_space<vmem_shared>>) target(%dma_start3A_14 : memref<632x128xf32, #tpu.memory_space<hbm>>) target_semaphore(%run_scoped3A : memref<!tpu.dma_semaphore, #tpu.memory_space<semaphore_mem>>)
      %dma_wait3A = arith.constant 0 : i32
      %dma_wait3A_17 = tpu.memref_slice %arg6[%arg0, %mul3A_12, %dma_wait3A] : memref<2x10112x128xf32, #tpu.memory_space<hbm>> -> memref<1x632x128xf32, #tpu.memory_space<hbm>>
      %dma_wait3A_18 = tpu.memref_squeeze %dma_wait3A_17 : memref<1x632x128xf32, #tpu.memory_space<hbm>> -> memref<632x128xf32, #tpu.memory_space<hbm>>
      %dma_wait3A_19 = arith.constant 0 : i32
      %dma_wait3A_20 = tpu.memref_slice %arg11[%mul3A_10, %dma_wait3A_19] : memref<10112x128xf32, #tpu.memory_space<vmem_shared>> -> memref<632x128xf32, #tpu.memory_space<vmem_shared>>
      tpu.wait_dma2 semaphore(%run_scoped3A : memref<!tpu.dma_semaphore, #tpu.memory_space<semaphore_mem>>) src(%dma_wait3A_20 : memref<632x128xf32, #tpu.memory_space<vmem_shared>>) dst(%dma_wait3A_18 : memref<632x128xf32, #tpu.memory_space<hbm>>)
      tpu.yield
    }) : () -> ()
    return
  }
}

#map = affine_map<(d0, d1) -> (0, 0, 0)>
#map1 = affine_map<(d0, d1) -> (0, 0)>
module attributes {stable_mosaic.version = 14 : i64} {
  func.func @_deg_count(%arg0: i32, %arg1: i32, %arg2: memref<32x80x128xi32, #tpu.memory_space<hbm>>, %arg3: memref<632x16xf32, #tpu.memory_space<hbm>>, %arg4: memref<128x16xf32, #tpu.memory_space<hbm>>, %arg5: memref<2x10112x16xf32, #tpu.memory_space<hbm>>, %arg6: memref<80x128xi32, #tpu.memory_space<vmem>>, %arg7: memref<128x16xf32, #tpu.memory_space<vmem>>, %arg8: memref<10112x16xf32, #tpu.memory_space<vmem_shared>>, %arg9: memref<!tpu.dma_semaphore, #tpu.memory_space<semaphore_mem>>) attributes {dimension_semantics = [#tpu.dimension_semantics<core_parallel>, #tpu.dimension_semantics<subcore_parallel>], iteration_bounds = array<i64: 2, 16>, scalar_prefetch = 0 : i64, scratch_operands = 4 : i64, tpu.core_type = #tpu.core_type<sc_vector_subcore>, window_params = [{transform_indices = #map}, {transform_indices = #map1}, {transform_indices = #map1}, {transform_indices = #map}]} {
    %mul3A = arith.constant 16 : i32
    %mul3A_0 = arith.muli %arg0, %mul3A : i32
    %add3A = arith.addi %mul3A_0, %arg1 : i32
    %mul3A_1 = arith.constant 632 : i32
    %mul3A_2 = arith.muli %arg1, %mul3A_1 : i32
    "tpu.region"() ({
      %run_scoped3A = tpu.sem_alloc : memref<!tpu.dma_semaphore, #tpu.memory_space<semaphore_mem>>
      %dma_start3A = arith.constant 0 : i32
      %dma_start3A_19 = tpu.memref_slice %arg8[%mul3A_2, %dma_start3A] : memref<10112x16xf32, #tpu.memory_space<vmem_shared>> -> memref<632x16xf32, #tpu.memory_space<vmem_shared>>
      tpu.enqueue_dma source(%arg3 : memref<632x16xf32, #tpu.memory_space<hbm>>) target(%dma_start3A_19 : memref<632x16xf32, #tpu.memory_space<vmem_shared>>) target_semaphore(%run_scoped3A : memref<!tpu.dma_semaphore, #tpu.memory_space<semaphore_mem>>)
      %dma_wait3A = arith.constant 0 : i32
      %dma_wait3A_20 = tpu.memref_slice %arg8[%mul3A_2, %dma_wait3A] : memref<10112x16xf32, #tpu.memory_space<vmem_shared>> -> memref<632x16xf32, #tpu.memory_space<vmem_shared>>
      tpu.wait_dma2 semaphore(%run_scoped3A : memref<!tpu.dma_semaphore, #tpu.memory_space<semaphore_mem>>) src(%arg3 : memref<632x16xf32, #tpu.memory_space<hbm>>) dst(%dma_wait3A_20 : memref<632x16xf32, #tpu.memory_space<vmem_shared>>)
      tpu.yield
    }) : () -> ()
    "tpu.region"() ({
      %run_scoped3A = tpu.sem_alloc : memref<!tpu.dma_semaphore, #tpu.memory_space<semaphore_mem>>
      tpu.enqueue_dma source(%arg4 : memref<128x16xf32, #tpu.memory_space<hbm>>) target(%arg7 : memref<128x16xf32, #tpu.memory_space<vmem>>) target_semaphore(%run_scoped3A : memref<!tpu.dma_semaphore, #tpu.memory_space<semaphore_mem>>)
      tpu.wait_dma2 semaphore(%run_scoped3A : memref<!tpu.dma_semaphore, #tpu.memory_space<semaphore_mem>>) src(%arg4 : memref<128x16xf32, #tpu.memory_space<hbm>>) dst(%arg7 : memref<128x16xf32, #tpu.memory_space<vmem>>)
      tpu.yield
    }) : () -> ()
    "tpu.region"() ({
      %run_scoped3A = tpu.sem_alloc : memref<!tpu.dma_semaphore, #tpu.memory_space<semaphore_mem>>
      %dma_start3A = arith.constant 0 : i32
      %dma_start3A_19 = arith.constant 0 : i32
      %dma_start3A_20 = tpu.memref_slice %arg2[%add3A, %dma_start3A, %dma_start3A_19] : memref<32x80x128xi32, #tpu.memory_space<hbm>> -> memref<1x80x128xi32, #tpu.memory_space<hbm>>
      %dma_start3A_21 = tpu.memref_squeeze %dma_start3A_20 : memref<1x80x128xi32, #tpu.memory_space<hbm>> -> memref<80x128xi32, #tpu.memory_space<hbm>>
      %dma_start3A_22 = arith.constant 0 : i32
      %dma_start3A_23 = arith.constant 0 : i32
      %dma_start3A_24 = tpu.memref_slice %arg2[%add3A, %dma_start3A_22, %dma_start3A_23] : memref<32x80x128xi32, #tpu.memory_space<hbm>> -> memref<1x80x128xi32, #tpu.memory_space<hbm>>
      %dma_start3A_25 = tpu.memref_squeeze %dma_start3A_24 : memref<1x80x128xi32, #tpu.memory_space<hbm>> -> memref<80x128xi32, #tpu.memory_space<hbm>>
      tpu.enqueue_dma source(%dma_start3A_25 : memref<80x128xi32, #tpu.memory_space<hbm>>) target(%arg6 : memref<80x128xi32, #tpu.memory_space<vmem>>) target_semaphore(%run_scoped3A : memref<!tpu.dma_semaphore, #tpu.memory_space<semaphore_mem>>)
      %dma_wait3A = arith.constant 0 : i32
      %dma_wait3A_26 = arith.constant 0 : i32
      %dma_wait3A_27 = tpu.memref_slice %arg2[%add3A, %dma_wait3A, %dma_wait3A_26] : memref<32x80x128xi32, #tpu.memory_space<hbm>> -> memref<1x80x128xi32, #tpu.memory_space<hbm>>
      %dma_wait3A_28 = tpu.memref_squeeze %dma_wait3A_27 : memref<1x80x128xi32, #tpu.memory_space<hbm>> -> memref<80x128xi32, #tpu.memory_space<hbm>>
      %dma_wait3A_29 = arith.constant 0 : i32
      %dma_wait3A_30 = arith.constant 0 : i32
      %dma_wait3A_31 = tpu.memref_slice %arg2[%add3A, %dma_wait3A_29, %dma_wait3A_30] : memref<32x80x128xi32, #tpu.memory_space<hbm>> -> memref<1x80x128xi32, #tpu.memory_space<hbm>>
      %dma_wait3A_32 = tpu.memref_squeeze %dma_wait3A_31 : memref<1x80x128xi32, #tpu.memory_space<hbm>> -> memref<80x128xi32, #tpu.memory_space<hbm>>
      tpu.wait_dma2 semaphore(%run_scoped3A : memref<!tpu.dma_semaphore, #tpu.memory_space<semaphore_mem>>) src(%dma_wait3A_32 : memref<80x128xi32, #tpu.memory_space<hbm>>) dst(%arg6 : memref<80x128xi32, #tpu.memory_space<vmem>>)
      tpu.yield
    }) : () -> ()
    %barrier3A = arith.constant 0 : index
    tpu.barrier barrier_id(%barrier3A)
    %scan3A = arith.constant 0 : i32
    %scan3A_3 = arith.constant 0 : i32
    %scan3A_4 = arith.constant 80 : i32
    %scan3A_5 = arith.addi %scan3A_3, %scan3A_4 : i32
    %scan3A_6 = arith.constant 1 : i32
    scf.for %scan3A_19 = %scan3A_3 to %scan3A_5 step %scan3A_6  : i32 {
      %dma_start3A = arith.constant 0 : i32
      %dma_start3A_20 = tpu.memref_slice %arg6[%scan3A_19, %dma_start3A] : memref<80x128xi32, #tpu.memory_space<vmem>> -> memref<1x128xi32, #tpu.memory_space<vmem>>
      %dma_start3A_21 = tpu.memref_squeeze %dma_start3A_20 : memref<1x128xi32, #tpu.memory_space<vmem>> -> memref<128xi32, #tpu.memory_space<vmem>>
      %dma_start3A_22 = arith.constant 0 : i32
      %dma_start3A_23 = arith.constant 0 : i32
      %dma_start3A_24 = tpu.memref_slice %arg8[%dma_start3A_22, %dma_start3A_23] : memref<10112x16xf32, #tpu.memory_space<vmem_shared>> -> memref<10112x16xf32, #tpu.memory_space<vmem_shared>>
      tpu.enqueue_indirect_dma source(%arg7 : memref<128x16xf32, #tpu.memory_space<vmem>>) target(%dma_start3A_24 : memref<10112x16xf32, #tpu.memory_space<vmem_shared>>) offsets(%dma_start3A_21 : memref<128xi32, #tpu.memory_space<vmem>>) semaphore(%arg9 : memref<!tpu.dma_semaphore, #tpu.memory_space<semaphore_mem>>) {add = true}
    }
    %scan3A_7 = arith.constant 80 : i32
    %scan3A_8 = arith.constant 0 : i32
    %scan3A_9 = arith.constant 0 : i32
    %scan3A_10 = arith.constant 80 : i32
    %scan3A_11 = arith.addi %scan3A_9, %scan3A_10 : i32
    %scan3A_12 = arith.constant 1 : i32
    scf.for %scan3A_19 = %scan3A_9 to %scan3A_11 step %scan3A_12  : i32 {
      %dma_wait3A = arith.constant 0 : i32
      %dma_wait3A_20 = tpu.memref_slice %arg6[%scan3A_19, %dma_wait3A] : memref<80x128xi32, #tpu.memory_space<vmem>> -> memref<1x128xi32, #tpu.memory_space<vmem>>
      %dma_wait3A_21 = tpu.memref_squeeze %dma_wait3A_20 : memref<1x128xi32, #tpu.memory_space<vmem>> -> memref<128xi32, #tpu.memory_space<vmem>>
      %dma_wait3A_22 = arith.constant 0 : i32
      %dma_wait3A_23 = arith.constant 0 : i32
      %dma_wait3A_24 = tpu.memref_slice %arg8[%dma_wait3A_22, %dma_wait3A_23] : memref<10112x16xf32, #tpu.memory_space<vmem_shared>> -> memref<10112x16xf32, #tpu.memory_space<vmem_shared>>
      tpu.wait_indirect_dma semaphore(%arg9 : memref<!tpu.dma_semaphore, #tpu.memory_space<semaphore_mem>>) src(%arg7 : memref<128x16xf32, #tpu.memory_space<vmem>>) dst(%dma_wait3A_24 : memref<10112x16xf32, #tpu.memory_space<vmem_shared>>)
    }
    %scan3A_13 = arith.constant 80 : i32
    %barrier3A_14 = arith.constant 0 : index
    tpu.barrier barrier_id(%barrier3A_14)
    %mul3A_15 = arith.constant 632 : i32
    %mul3A_16 = arith.muli %arg1, %mul3A_15 : i32
    %mul3A_17 = arith.constant 632 : i32
    %mul3A_18 = arith.muli %arg1, %mul3A_17 : i32
    "tpu.region"() ({
      %run_scoped3A = tpu.sem_alloc : memref<!tpu.dma_semaphore, #tpu.memory_space<semaphore_mem>>
      %dma_start3A = arith.constant 0 : i32
      %dma_start3A_19 = tpu.memref_slice %arg5[%arg0, %mul3A_18, %dma_start3A] : memref<2x10112x16xf32, #tpu.memory_space<hbm>> -> memref<1x632x16xf32, #tpu.memory_space<hbm>>
      %dma_start3A_20 = tpu.memref_squeeze %dma_start3A_19 : memref<1x632x16xf32, #tpu.memory_space<hbm>> -> memref<632x16xf32, #tpu.memory_space<hbm>>
      %dma_start3A_21 = arith.constant 0 : i32
      %dma_start3A_22 = tpu.memref_slice %arg8[%mul3A_16, %dma_start3A_21] : memref<10112x16xf32, #tpu.memory_space<vmem_shared>> -> memref<632x16xf32, #tpu.memory_space<vmem_shared>>
      tpu.enqueue_dma source(%dma_start3A_22 : memref<632x16xf32, #tpu.memory_space<vmem_shared>>) target(%dma_start3A_20 : memref<632x16xf32, #tpu.memory_space<hbm>>) target_semaphore(%run_scoped3A : memref<!tpu.dma_semaphore, #tpu.memory_space<semaphore_mem>>)
      %dma_wait3A = arith.constant 0 : i32
      %dma_wait3A_23 = tpu.memref_slice %arg5[%arg0, %mul3A_18, %dma_wait3A] : memref<2x10112x16xf32, #tpu.memory_space<hbm>> -> memref<1x632x16xf32, #tpu.memory_space<hbm>>
      %dma_wait3A_24 = tpu.memref_squeeze %dma_wait3A_23 : memref<1x632x16xf32, #tpu.memory_space<hbm>> -> memref<632x16xf32, #tpu.memory_space<hbm>>
      %dma_wait3A_25 = arith.constant 0 : i32
      %dma_wait3A_26 = tpu.memref_slice %arg8[%mul3A_16, %dma_wait3A_25] : memref<10112x16xf32, #tpu.memory_space<vmem_shared>> -> memref<632x16xf32, #tpu.memory_space<vmem_shared>>
      tpu.wait_dma2 semaphore(%run_scoped3A : memref<!tpu.dma_semaphore, #tpu.memory_space<semaphore_mem>>) src(%dma_wait3A_26 : memref<632x16xf32, #tpu.memory_space<vmem_shared>>) dst(%dma_wait3A_24 : memref<632x16xf32, #tpu.memory_space<hbm>>)
      tpu.yield
    }) : () -> ()
    return
  }
}

#map = affine_map<(d0, d1) -> (0, 0)>
#map1 = affine_map<(d0, d1) -> (0, 0, 0)>
module attributes {stable_mosaic.version = 14 : i64} {
  func.func @_seg_sum(%arg0: i32, %arg1: i32, %arg2: memref<10000x128xf32, #tpu.memory_space<hbm>>, %arg3: memref<32x80x128xi32, #tpu.memory_space<hbm>>, %arg4: memref<32x80x128xi32, #tpu.memory_space<hbm>>, %arg5: memref<632x128xf32, #tpu.memory_space<hbm>>, %arg6: memref<2x10112x128xf32, #tpu.memory_space<hbm>>, %arg7: memref<40x128xi32, #tpu.memory_space<vmem>>, %arg8: memref<40x128xi32, #tpu.memory_space<vmem>>, %arg9: memref<128x128xf32, #tpu.memory_space<vmem>>, %arg10: memref<128x128xf32, #tpu.memory_space<vmem>>, %arg11: memref<10112x128xf32, #tpu.memory_space<vmem_shared>>, %arg12: memref<!tpu.dma_semaphore, #tpu.memory_space<semaphore_mem>>, %arg13: memref<!tpu.dma_semaphore, #tpu.memory_space<semaphore_mem>>, %arg14: memref<!tpu.dma_semaphore, #tpu.memory_space<semaphore_mem>>, %arg15: memref<!tpu.dma_semaphore, #tpu.memory_space<semaphore_mem>>) attributes {dimension_semantics = [#tpu.dimension_semantics<core_parallel>, #tpu.dimension_semantics<subcore_parallel>], iteration_bounds = array<i64: 2, 16>, scalar_prefetch = 0 : i64, scratch_operands = 9 : i64, tpu.core_type = #tpu.core_type<sc_vector_subcore>, window_params = [{transform_indices = #map}, {transform_indices = #map1}, {transform_indices = #map1}, {transform_indices = #map}, {transform_indices = #map1}]} {
    %mul3A = arith.constant 16 : i32
    %mul3A_0 = arith.muli %arg0, %mul3A : i32
    %add3A = arith.addi %mul3A_0, %arg1 : i32
    %mul3A_1 = arith.constant 632 : i32
    %mul3A_2 = arith.muli %arg1, %mul3A_1 : i32
    "tpu.region"() ({
      %run_scoped3A = tpu.sem_alloc : memref<!tpu.dma_semaphore, #tpu.memory_space<semaphore_mem>>
      %dma_start3A = arith.constant 0 : i32
      %dma_start3A_13 = tpu.memref_slice %arg11[%mul3A_2, %dma_start3A] : memref<10112x128xf32, #tpu.memory_space<vmem_shared>> -> memref<632x128xf32, #tpu.memory_space<vmem_shared>>
      tpu.enqueue_dma source(%arg5 : memref<632x128xf32, #tpu.memory_space<hbm>>) target(%dma_start3A_13 : memref<632x128xf32, #tpu.memory_space<vmem_shared>>) target_semaphore(%run_scoped3A : memref<!tpu.dma_semaphore, #tpu.memory_space<semaphore_mem>>)
      %dma_wait3A = arith.constant 0 : i32
      %dma_wait3A_14 = tpu.memref_slice %arg11[%mul3A_2, %dma_wait3A] : memref<10112x128xf32, #tpu.memory_space<vmem_shared>> -> memref<632x128xf32, #tpu.memory_space<vmem_shared>>
      tpu.wait_dma2 semaphore(%run_scoped3A : memref<!tpu.dma_semaphore, #tpu.memory_space<semaphore_mem>>) src(%arg5 : memref<632x128xf32, #tpu.memory_space<hbm>>) dst(%dma_wait3A_14 : memref<632x128xf32, #tpu.memory_space<vmem_shared>>)
      tpu.yield
    }) : () -> ()
    %barrier3A = arith.constant 0 : index
    tpu.barrier barrier_id(%barrier3A)
    %scan3A = arith.constant 0 : i32
    %scan3A_3 = arith.constant 0 : i32
    %scan3A_4 = arith.constant 2 : i32
    %scan3A_5 = arith.addi %scan3A_3, %scan3A_4 : i32
    %scan3A_6 = arith.constant 1 : i32
    scf.for %scan3A_13 = %scan3A_3 to %scan3A_5 step %scan3A_6  : i32 {
      %mul3A_14 = arith.constant 40 : i32
      %mul3A_15 = arith.muli %scan3A_13, %mul3A_14 : i32
      "tpu.region"() ({
        %run_scoped3A = tpu.sem_alloc : memref<!tpu.dma_semaphore, #tpu.memory_space<semaphore_mem>>
        %dma_start3A_42 = arith.constant 0 : i32
        %dma_start3A_43 = tpu.memref_slice %arg3[%add3A, %mul3A_15, %dma_start3A_42] : memref<32x80x128xi32, #tpu.memory_space<hbm>> -> memref<1x40x128xi32, #tpu.memory_space<hbm>>
        %dma_start3A_44 = tpu.memref_squeeze %dma_start3A_43 : memref<1x40x128xi32, #tpu.memory_space<hbm>> -> memref<40x128xi32, #tpu.memory_space<hbm>>
        %dma_start3A_45 = arith.constant 0 : i32
        %dma_start3A_46 = tpu.memref_slice %arg3[%add3A, %mul3A_15, %dma_start3A_45] : memref<32x80x128xi32, #tpu.memory_space<hbm>> -> memref<1x40x128xi32, #tpu.memory_space<hbm>>
        %dma_start3A_47 = tpu.memref_squeeze %dma_start3A_46 : memref<1x40x128xi32, #tpu.memory_space<hbm>> -> memref<40x128xi32, #tpu.memory_space<hbm>>
        tpu.enqueue_dma source(%dma_start3A_47 : memref<40x128xi32, #tpu.memory_space<hbm>>) target(%arg7 : memref<40x128xi32, #tpu.memory_space<vmem>>) target_semaphore(%run_scoped3A : memref<!tpu.dma_semaphore, #tpu.memory_space<semaphore_mem>>)
        %dma_wait3A_48 = arith.constant 0 : i32
        %dma_wait3A_49 = tpu.memref_slice %arg3[%add3A, %mul3A_15, %dma_wait3A_48] : memref<32x80x128xi32, #tpu.memory_space<hbm>> -> memref<1x40x128xi32, #tpu.memory_space<hbm>>
        %dma_wait3A_50 = tpu.memref_squeeze %dma_wait3A_49 : memref<1x40x128xi32, #tpu.memory_space<hbm>> -> memref<40x128xi32, #tpu.memory_space<hbm>>
        %dma_wait3A_51 = arith.constant 0 : i32
        %dma_wait3A_52 = tpu.memref_slice %arg3[%add3A, %mul3A_15, %dma_wait3A_51] : memref<32x80x128xi32, #tpu.memory_space<hbm>> -> memref<1x40x128xi32, #tpu.memory_space<hbm>>
        %dma_wait3A_53 = tpu.memref_squeeze %dma_wait3A_52 : memref<1x40x128xi32, #tpu.memory_space<hbm>> -> memref<40x128xi32, #tpu.memory_space<hbm>>
        tpu.wait_dma2 semaphore(%run_scoped3A : memref<!tpu.dma_semaphore, #tpu.memory_space<semaphore_mem>>) src(%dma_wait3A_53 : memref<40x128xi32, #tpu.memory_space<hbm>>) dst(%arg7 : memref<40x128xi32, #tpu.memory_space<vmem>>)
        tpu.yield
      }) : () -> ()
      %mul3A_16 = arith.constant 40 : i32
      %mul3A_17 = arith.muli %scan3A_13, %mul3A_16 : i32
      "tpu.region"() ({
        %run_scoped3A = tpu.sem_alloc : memref<!tpu.dma_semaphore, #tpu.memory_space<semaphore_mem>>
        %dma_start3A_42 = arith.constant 0 : i32
        %dma_start3A_43 = tpu.memref_slice %arg4[%add3A, %mul3A_17, %dma_start3A_42] : memref<32x80x128xi32, #tpu.memory_space<hbm>> -> memref<1x40x128xi32, #tpu.memory_space<hbm>>
        %dma_start3A_44 = tpu.memref_squeeze %dma_start3A_43 : memref<1x40x128xi32, #tpu.memory_space<hbm>> -> memref<40x128xi32, #tpu.memory_space<hbm>>
        %dma_start3A_45 = arith.constant 0 : i32
        %dma_start3A_46 = tpu.memref_slice %arg4[%add3A, %mul3A_17, %dma_start3A_45] : memref<32x80x128xi32, #tpu.memory_space<hbm>> -> memref<1x40x128xi32, #tpu.memory_space<hbm>>
        %dma_start3A_47 = tpu.memref_squeeze %dma_start3A_46 : memref<1x40x128xi32, #tpu.memory_space<hbm>> -> memref<40x128xi32, #tpu.memory_space<hbm>>
        tpu.enqueue_dma source(%dma_start3A_47 : memref<40x128xi32, #tpu.memory_space<hbm>>) target(%arg8 : memref<40x128xi32, #tpu.memory_space<vmem>>) target_semaphore(%run_scoped3A : memref<!tpu.dma_semaphore, #tpu.memory_space<semaphore_mem>>)
        %dma_wait3A_48 = arith.constant 0 : i32
        %dma_wait3A_49 = tpu.memref_slice %arg4[%add3A, %mul3A_17, %dma_wait3A_48] : memref<32x80x128xi32, #tpu.memory_space<hbm>> -> memref<1x40x128xi32, #tpu.memory_space<hbm>>
        %dma_wait3A_50 = tpu.memref_squeeze %dma_wait3A_49 : memref<1x40x128xi32, #tpu.memory_space<hbm>> -> memref<40x128xi32, #tpu.memory_space<hbm>>
        %dma_wait3A_51 = arith.constant 0 : i32
        %dma_wait3A_52 = tpu.memref_slice %arg4[%add3A, %mul3A_17, %dma_wait3A_51] : memref<32x80x128xi32, #tpu.memory_space<hbm>> -> memref<1x40x128xi32, #tpu.memory_space<hbm>>
        %dma_wait3A_53 = tpu.memref_squeeze %dma_wait3A_52 : memref<1x40x128xi32, #tpu.memory_space<hbm>> -> memref<40x128xi32, #tpu.memory_space<hbm>>
        tpu.wait_dma2 semaphore(%run_scoped3A : memref<!tpu.dma_semaphore, #tpu.memory_space<semaphore_mem>>) src(%dma_wait3A_53 : memref<40x128xi32, #tpu.memory_space<hbm>>) dst(%arg8 : memref<40x128xi32, #tpu.memory_space<vmem>>)
        tpu.yield
      }) : () -> ()
      %dma_start3A = arith.constant 0 : i32
      %dma_start3A_18 = arith.constant 0 : i32
      %dma_start3A_19 = tpu.memref_slice %arg7[%dma_start3A, %dma_start3A_18] : memref<40x128xi32, #tpu.memory_space<vmem>> -> memref<1x128xi32, #tpu.memory_space<vmem>>
      %dma_start3A_20 = tpu.memref_squeeze %dma_start3A_19 : memref<1x128xi32, #tpu.memory_space<vmem>> -> memref<128xi32, #tpu.memory_space<vmem>>
      %dma_start3A_21 = arith.constant 0 : i32
      %dma_start3A_22 = arith.constant 0 : i32
      %dma_start3A_23 = tpu.memref_slice %arg2[%dma_start3A_21, %dma_start3A_22] : memref<10000x128xf32, #tpu.memory_space<hbm>> -> memref<10000x128xf32, #tpu.memory_space<hbm>>
      tpu.enqueue_indirect_dma source(%dma_start3A_23 : memref<10000x128xf32, #tpu.memory_space<hbm>>) target(%arg9 : memref<128x128xf32, #tpu.memory_space<vmem>>) offsets(%dma_start3A_20 : memref<128xi32, #tpu.memory_space<vmem>>) semaphore(%arg12 : memref<!tpu.dma_semaphore, #tpu.memory_space<semaphore_mem>>)
      %scan3A_24 = arith.constant 0 : i32
      %scan3A_25 = arith.constant 20 : i32
      %scan3A_26 = arith.addi %scan3A_24, %scan3A_25 : i32
      %scan3A_27 = arith.constant 1 : i32
      scf.for %scan3A_42 = %scan3A_24 to %scan3A_26 step %scan3A_27  : i32 {
        %mul3A_43 = arith.constant 2 : i32
        %mul3A_44 = arith.muli %mul3A_43, %scan3A_42 : i32
        %add3A_45 = arith.constant 1 : i32
        %add3A_46 = arith.addi %mul3A_44, %add3A_45 : i32
        %ge3A = arith.constant 1 : i32
        %ge3A_47 = arith.cmpi sge, %scan3A_42, %ge3A : i32
        %convert_element_type3A = arith.extui %ge3A_47 : i1 to i32
        %cond3A = arith.constant 0 : i32
        %cond3A_48 = arith.cmpi ne, %convert_element_type3A, %cond3A : i32
        scf.if %cond3A_48 {
          %sub3A = arith.constant 2 : i32
          %sub3A_83 = arith.subi %add3A_46, %sub3A : i32
          %dma_wait3A_84 = arith.constant 0 : i32
          %dma_wait3A_85 = tpu.memref_slice %arg8[%sub3A_83, %dma_wait3A_84] : memref<40x128xi32, #tpu.memory_space<vmem>> -> memref<1x128xi32, #tpu.memory_space<vmem>>
          %dma_wait3A_86 = tpu.memref_squeeze %dma_wait3A_85 : memref<1x128xi32, #tpu.memory_space<vmem>> -> memref<128xi32, #tpu.memory_space<vmem>>
          %dma_wait3A_87 = arith.constant 0 : i32
          %dma_wait3A_88 = arith.constant 0 : i32
          %dma_wait3A_89 = tpu.memref_slice %arg11[%dma_wait3A_87, %dma_wait3A_88] : memref<10112x128xf32, #tpu.memory_space<vmem_shared>> -> memref<10112x128xf32, #tpu.memory_space<vmem_shared>>
          tpu.wait_indirect_dma semaphore(%arg15 : memref<!tpu.dma_semaphore, #tpu.memory_space<semaphore_mem>>) src(%arg10 : memref<128x128xf32, #tpu.memory_space<vmem>>) dst(%dma_wait3A_89 : memref<10112x128xf32, #tpu.memory_space<vmem_shared>>)
        } else {
        }
        %dma_start3A_49 = arith.constant 0 : i32
        %dma_start3A_50 = tpu.memref_slice %arg7[%add3A_46, %dma_start3A_49] : memref<40x128xi32, #tpu.memory_space<vmem>> -> memref<1x128xi32, #tpu.memory_space<vmem>>
        %dma_start3A_51 = tpu.memref_squeeze %dma_start3A_50 : memref<1x128xi32, #tpu.memory_space<vmem>> -> memref<128xi32, #tpu.memory_space<vmem>>
        %dma_start3A_52 = arith.constant 0 : i32
        %dma_start3A_53 = arith.constant 0 : i32
        %dma_start3A_54 = tpu.memref_slice %arg2[%dma_start3A_52, %dma_start3A_53] : memref<10000x128xf32, #tpu.memory_space<hbm>> -> memref<10000x128xf32, #tpu.memory_space<hbm>>
        tpu.enqueue_indirect_dma source(%dma_start3A_54 : memref<10000x128xf32, #tpu.memory_space<hbm>>) target(%arg10 : memref<128x128xf32, #tpu.memory_space<vmem>>) offsets(%dma_start3A_51 : memref<128xi32, #tpu.memory_space<vmem>>) semaphore(%arg13 : memref<!tpu.dma_semaphore, #tpu.memory_space<semaphore_mem>>)
        %dma_wait3A_55 = arith.constant 0 : i32
        %dma_wait3A_56 = tpu.memref_slice %arg7[%mul3A_44, %dma_wait3A_55] : memref<40x128xi32, #tpu.memory_space<vmem>> -> memref<1x128xi32, #tpu.memory_space<vmem>>
        %dma_wait3A_57 = tpu.memref_squeeze %dma_wait3A_56 : memref<1x128xi32, #tpu.memory_space<vmem>> -> memref<128xi32, #tpu.memory_space<vmem>>
        %dma_wait3A_58 = arith.constant 0 : i32
        %dma_wait3A_59 = arith.constant 0 : i32
        %dma_wait3A_60 = tpu.memref_slice %arg2[%dma_wait3A_58, %dma_wait3A_59] : memref<10000x128xf32, #tpu.memory_space<hbm>> -> memref<10000x128xf32, #tpu.memory_space<hbm>>
        tpu.wait_indirect_dma semaphore(%arg12 : memref<!tpu.dma_semaphore, #tpu.memory_space<semaphore_mem>>) src(%dma_wait3A_60 : memref<10000x128xf32, #tpu.memory_space<hbm>>) dst(%arg9 : memref<128x128xf32, #tpu.memory_space<vmem>>)
        %dma_start3A_61 = arith.constant 0 : i32
        %dma_start3A_62 = tpu.memref_slice %arg8[%mul3A_44, %dma_start3A_61] : memref<40x128xi32, #tpu.memory_space<vmem>> -> memref<1x128xi32, #tpu.memory_space<vmem>>
        %dma_start3A_63 = tpu.memref_squeeze %dma_start3A_62 : memref<1x128xi32, #tpu.memory_space<vmem>> -> memref<128xi32, #tpu.memory_space<vmem>>
        %dma_start3A_64 = arith.constant 0 : i32
        %dma_start3A_65 = arith.constant 0 : i32
        %dma_start3A_66 = tpu.memref_slice %arg11[%dma_start3A_64, %dma_start3A_65] : memref<10112x128xf32, #tpu.memory_space<vmem_shared>> -> memref<10112x128xf32, #tpu.memory_space<vmem_shared>>
        tpu.enqueue_indirect_dma source(%arg9 : memref<128x128xf32, #tpu.memory_space<vmem>>) target(%dma_start3A_66 : memref<10112x128xf32, #tpu.memory_space<vmem_shared>>) offsets(%dma_start3A_63 : memref<128xi32, #tpu.memory_space<vmem>>) semaphore(%arg14 : memref<!tpu.dma_semaphore, #tpu.memory_space<semaphore_mem>>) {add = true}
        %dma_wait3A_67 = arith.constant 0 : i32
        %dma_wait3A_68 = tpu.memref_slice %arg7[%add3A_46, %dma_wait3A_67] : memref<40x128xi32, #tpu.memory_space<vmem>> -> memref<1x128xi32, #tpu.memory_space<vmem>>
        %dma_wait3A_69 = tpu.memref_squeeze %dma_wait3A_68 : memref<1x128xi32, #tpu.memory_space<vmem>> -> memref<128xi32, #tpu.memory_space<vmem>>
        %dma_wait3A_70 = arith.constant 0 : i32
        %dma_wait3A_71 = arith.constant 0 : i32
        %dma_wait3A_72 = tpu.memref_slice %arg2[%dma_wait3A_70, %dma_wait3A_71] : memref<10000x128xf32, #tpu.memory_space<hbm>> -> memref<10000x128xf32, #tpu.memory_space<hbm>>
        tpu.wait_indirect_dma semaphore(%arg13 : memref<!tpu.dma_semaphore, #tpu.memory_space<semaphore_mem>>) src(%dma_wait3A_72 : memref<10000x128xf32, #tpu.memory_space<hbm>>) dst(%arg10 : memref<128x128xf32, #tpu.memory_space<vmem>>)
        %dma_start3A_73 = arith.constant 0 : i32
        %dma_start3A_74 = tpu.memref_slice %arg8[%add3A_46, %dma_start3A_73] : memref<40x128xi32, #tpu.memory_space<vmem>> -> memref<1x128xi32, #tpu.memory_space<vmem>>
        %dma_start3A_75 = tpu.memref_squeeze %dma_start3A_74 : memref<1x128xi32, #tpu.memory_space<vmem>> -> memref<128xi32, #tpu.memory_space<vmem>>
        %dma_start3A_76 = arith.constant 0 : i32
        %dma_start3A_77 = arith.constant 0 : i32
        %dma_start3A_78 = tpu.memref_slice %arg11[%dma_start3A_76, %dma_start3A_77] : memref<10112x128xf32, #tpu.memory_space<vmem_shared>> -> memref<10112x128xf32, #tpu.memory_space<vmem_shared>>
        tpu.enqueue_indirect_dma source(%arg10 : memref<128x128xf32, #tpu.memory_space<vmem>>) target(%dma_start3A_78 : memref<10112x128xf32, #tpu.memory_space<vmem_shared>>) offsets(%dma_start3A_75 : memref<128xi32, #tpu.memory_space<vmem>>) semaphore(%arg15 : memref<!tpu.dma_semaphore, #tpu.memory_space<semaphore_mem>>) {add = true}
        %lt3A = arith.constant 19 : i32
        %lt3A_79 = arith.cmpi slt, %scan3A_42, %lt3A : i32
        %convert_element_type3A_80 = arith.extui %lt3A_79 : i1 to i32
        %cond3A_81 = arith.constant 0 : i32
        %cond3A_82 = arith.cmpi ne, %convert_element_type3A_80, %cond3A_81 : i32
        scf.if %cond3A_82 {
          %dma_wait3A_83 = arith.constant 0 : i32
          %dma_wait3A_84 = tpu.memref_slice %arg8[%mul3A_44, %dma_wait3A_83] : memref<40x128xi32, #tpu.memory_space<vmem>> -> memref<1x128xi32, #tpu.memory_space<vmem>>
          %dma_wait3A_85 = tpu.memref_squeeze %dma_wait3A_84 : memref<1x128xi32, #tpu.memory_space<vmem>> -> memref<128xi32, #tpu.memory_space<vmem>>
          %dma_wait3A_86 = arith.constant 0 : i32
          %dma_wait3A_87 = arith.constant 0 : i32
          %dma_wait3A_88 = tpu.memref_slice %arg11[%dma_wait3A_86, %dma_wait3A_87] : memref<10112x128xf32, #tpu.memory_space<vmem_shared>> -> memref<10112x128xf32, #tpu.memory_space<vmem_shared>>
          tpu.wait_indirect_dma semaphore(%arg14 : memref<!tpu.dma_semaphore, #tpu.memory_space<semaphore_mem>>) src(%arg9 : memref<128x128xf32, #tpu.memory_space<vmem>>) dst(%dma_wait3A_88 : memref<10112x128xf32, #tpu.memory_space<vmem_shared>>)
          %add3A_89 = arith.constant 2 : i32
          %add3A_90 = arith.addi %mul3A_44, %add3A_89 : i32
          %dma_start3A_91 = arith.constant 0 : i32
          %dma_start3A_92 = tpu.memref_slice %arg7[%add3A_90, %dma_start3A_91] : memref<40x128xi32, #tpu.memory_space<vmem>> -> memref<1x128xi32, #tpu.memory_space<vmem>>
          %dma_start3A_93 = tpu.memref_squeeze %dma_start3A_92 : memref<1x128xi32, #tpu.memory_space<vmem>> -> memref<128xi32, #tpu.memory_space<vmem>>
          %dma_start3A_94 = arith.constant 0 : i32
          %dma_start3A_95 = arith.constant 0 : i32
          %dma_start3A_96 = tpu.memref_slice %arg2[%dma_start3A_94, %dma_start3A_95] : memref<10000x128xf32, #tpu.memory_space<hbm>> -> memref<10000x128xf32, #tpu.memory_space<hbm>>
          tpu.enqueue_indirect_dma source(%dma_start3A_96 : memref<10000x128xf32, #tpu.memory_space<hbm>>) target(%arg9 : memref<128x128xf32, #tpu.memory_space<vmem>>) offsets(%dma_start3A_93 : memref<128xi32, #tpu.memory_space<vmem>>) semaphore(%arg12 : memref<!tpu.dma_semaphore, #tpu.memory_space<semaphore_mem>>)
        } else {
        }
      }
      %scan3A_28 = arith.constant 20 : i32
      %dma_wait3A = arith.constant 38 : i32
      %dma_wait3A_29 = arith.constant 0 : i32
      %dma_wait3A_30 = tpu.memref_slice %arg8[%dma_wait3A, %dma_wait3A_29] : memref<40x128xi32, #tpu.memory_space<vmem>> -> memref<1x128xi32, #tpu.memory_space<vmem>>
      %dma_wait3A_31 = tpu.memref_squeeze %dma_wait3A_30 : memref<1x128xi32, #tpu.memory_space<vmem>> -> memref<128xi32, #tpu.memory_space<vmem>>
      %dma_wait3A_32 = arith.constant 0 : i32
      %dma_wait3A_33 = arith.constant 0 : i32
      %dma_wait3A_34 = tpu.memref_slice %arg11[%dma_wait3A_32, %dma_wait3A_33] : memref<10112x128xf32, #tpu.memory_space<vmem_shared>> -> memref<10112x128xf32, #tpu.memory_space<vmem_shared>>
      tpu.wait_indirect_dma semaphore(%arg14 : memref<!tpu.dma_semaphore, #tpu.memory_space<semaphore_mem>>) src(%arg9 : memref<128x128xf32, #tpu.memory_space<vmem>>) dst(%dma_wait3A_34 : memref<10112x128xf32, #tpu.memory_space<vmem_shared>>)
      %dma_wait3A_35 = arith.constant 39 : i32
      %dma_wait3A_36 = arith.constant 0 : i32
      %dma_wait3A_37 = tpu.memref_slice %arg8[%dma_wait3A_35, %dma_wait3A_36] : memref<40x128xi32, #tpu.memory_space<vmem>> -> memref<1x128xi32, #tpu.memory_space<vmem>>
      %dma_wait3A_38 = tpu.memref_squeeze %dma_wait3A_37 : memref<1x128xi32, #tpu.memory_space<vmem>> -> memref<128xi32, #tpu.memory_space<vmem>>
      %dma_wait3A_39 = arith.constant 0 : i32
      %dma_wait3A_40 = arith.constant 0 : i32
      %dma_wait3A_41 = tpu.memref_slice %arg11[%dma_wait3A_39, %dma_wait3A_40] : memref<10112x128xf32, #tpu.memory_space<vmem_shared>> -> memref<10112x128xf32, #tpu.memory_space<vmem_shared>>
      tpu.wait_indirect_dma semaphore(%arg15 : memref<!tpu.dma_semaphore, #tpu.memory_space<semaphore_mem>>) src(%arg10 : memref<128x128xf32, #tpu.memory_space<vmem>>) dst(%dma_wait3A_41 : memref<10112x128xf32, #tpu.memory_space<vmem_shared>>)
    }
    %scan3A_7 = arith.constant 2 : i32
    %barrier3A_8 = arith.constant 0 : index
    tpu.barrier barrier_id(%barrier3A_8)
    %mul3A_9 = arith.constant 632 : i32
    %mul3A_10 = arith.muli %arg1, %mul3A_9 : i32
    %mul3A_11 = arith.constant 632 : i32
    %mul3A_12 = arith.muli %arg1, %mul3A_11 : i32
    "tpu.region"() ({
      %run_scoped3A = tpu.sem_alloc : memref<!tpu.dma_semaphore, #tpu.memory_space<semaphore_mem>>
      %dma_start3A = arith.constant 0 : i32
      %dma_start3A_13 = tpu.memref_slice %arg6[%arg0, %mul3A_12, %dma_start3A] : memref<2x10112x128xf32, #tpu.memory_space<hbm>> -> memref<1x632x128xf32, #tpu.memory_space<hbm>>
      %dma_start3A_14 = tpu.memref_squeeze %dma_start3A_13 : memref<1x632x128xf32, #tpu.memory_space<hbm>> -> memref<632x128xf32, #tpu.memory_space<hbm>>
      %dma_start3A_15 = arith.constant 0 : i32
      %dma_start3A_16 = tpu.memref_slice %arg11[%mul3A_10, %dma_start3A_15] : memref<10112x128xf32, #tpu.memory_space<vmem_shared>> -> memref<632x128xf32, #tpu.memory_space<vmem_shared>>
      tpu.enqueue_dma source(%dma_start3A_16 : memref<632x128xf32, #tpu.memory_space<vmem_shared>>) target(%dma_start3A_14 : memref<632x128xf32, #tpu.memory_space<hbm>>) target_semaphore(%run_scoped3A : memref<!tpu.dma_semaphore, #tpu.memory_space<semaphore_mem>>)
      %dma_wait3A = arith.constant 0 : i32
      %dma_wait3A_17 = tpu.memref_slice %arg6[%arg0, %mul3A_12, %dma_wait3A] : memref<2x10112x128xf32, #tpu.memory_space<hbm>> -> memref<1x632x128xf32, #tpu.memory_space<hbm>>
      %dma_wait3A_18 = tpu.memref_squeeze %dma_wait3A_17 : memref<1x632x128xf32, #tpu.memory_space<hbm>> -> memref<632x128xf32, #tpu.memory_space<hbm>>
      %dma_wait3A_19 = arith.constant 0 : i32
      %dma_wait3A_20 = tpu.memref_slice %arg11[%mul3A_10, %dma_wait3A_19] : memref<10112x128xf32, #tpu.memory_space<vmem_shared>> -> memref<632x128xf32, #tpu.memory_space<vmem_shared>>
      tpu.wait_dma2 semaphore(%run_scoped3A : memref<!tpu.dma_semaphore, #tpu.memory_space<semaphore_mem>>) src(%dma_wait3A_20 : memref<632x128xf32, #tpu.memory_space<vmem_shared>>) dst(%dma_wait3A_18 : memref<632x128xf32, #tpu.memory_space<hbm>>)
      tpu.yield
    }) : () -> ()
    return
  }
}

module attributes {stable_mosaic.version = 14 : i64} {
  func.func @_layer_body(%arg0: i32, %arg1: memref<1000x128xf32, #tpu.memory_space<vmem>>, %arg2: memref<2x1000x128xf32, #tpu.memory_space<vmem>>, %arg3: memref<2x1000x16xf32, #tpu.memory_space<vmem>>, %arg4: memref<128x128xf32, #tpu.memory_space<vmem>>, %arg5: memref<1x128xf32, #tpu.memory_space<vmem>>, %arg6: memref<256x128xf32, #tpu.memory_space<vmem>>, %arg7: memref<1x128xf32, #tpu.memory_space<vmem>>, %arg8: memref<128x128xf32, #tpu.memory_space<vmem>>, %arg9: memref<1x128xf32, #tpu.memory_space<vmem>>, %arg10: memref<1000x128xf32, #tpu.memory_space<vmem>>) attributes {dimension_semantics = [#tpu.dimension_semantics<arbitrary>], iteration_bounds = array<i64: 10>, scalar_prefetch = 0 : i64, scratch_operands = 0 : i64, tpu.core_type = #tpu.core_type<tc>, window_params = [{transform_indices = @transform_0, window_bounds = array<i64: 1000, 128>}, {transform_indices = @transform_1, window_bounds = array<i64: 2, 1000, 128>}, {transform_indices = @transform_2, window_bounds = array<i64: 2, 1000, 16>}, {pipeline_mode = #tpu.pipeline_mode<synchronous>, transform_indices = @transform_3, window_bounds = array<i64: 128, 128>}, {pipeline_mode = #tpu.pipeline_mode<synchronous>, transform_indices = @transform_4, window_bounds = array<i64: 1, 128>}, {pipeline_mode = #tpu.pipeline_mode<synchronous>, transform_indices = @transform_5, window_bounds = array<i64: 256, 128>}, {pipeline_mode = #tpu.pipeline_mode<synchronous>, transform_indices = @transform_6, window_bounds = array<i64: 1, 128>}, {pipeline_mode = #tpu.pipeline_mode<synchronous>, transform_indices = @transform_7, window_bounds = array<i64: 128, 128>}, {pipeline_mode = #tpu.pipeline_mode<synchronous>, transform_indices = @transform_8, window_bounds = array<i64: 1, 128>}, {transform_indices = @transform_9, window_bounds = array<i64: 1000, 128>}]} {
    %get3A = arith.constant 0 : index
    %get3A_0 = arith.constant 0 : index
    %get3A_1 = arith.constant 0 : index
    %get3A_2 = vector.load %arg2[%get3A, %get3A_0, %get3A_1] : memref<2x1000x128xf32, #tpu.memory_space<vmem>>, vector<1x1000x128xf32>
    %get3A_3 = vector.shape_cast %get3A_2 : vector<1x1000x128xf32> to vector<1000x128xf32>
    %get3A_4 = arith.constant 1 : index
    %get3A_5 = arith.constant 0 : index
    %get3A_6 = arith.constant 0 : index
    %get3A_7 = vector.load %arg2[%get3A_4, %get3A_5, %get3A_6] : memref<2x1000x128xf32, #tpu.memory_space<vmem>>, vector<1x1000x128xf32>
    %get3A_8 = vector.shape_cast %get3A_7 : vector<1x1000x128xf32> to vector<1000x128xf32>
    %add3A = arith.addf %get3A_3, %get3A_8 : vector<1000x128xf32>
    %get3A_9 = arith.constant 0 : index
    %get3A_10 = arith.constant 0 : index
    %get3A_11 = arith.constant 0 : index
    %get3A_12 = vector.load %arg3[%get3A_9, %get3A_10, %get3A_11] : memref<2x1000x16xf32, #tpu.memory_space<vmem>>, vector<1x1000x1xf32>
    %get3A_13 = vector.shape_cast %get3A_12 : vector<1x1000x1xf32> to vector<1000xf32>
    %get3A_14 = arith.constant 1 : index
    %get3A_15 = arith.constant 0 : index
    %get3A_16 = arith.constant 0 : index
    %get3A_17 = vector.load %arg3[%get3A_14, %get3A_15, %get3A_16] : memref<2x1000x16xf32, #tpu.memory_space<vmem>>, vector<1x1000x1xf32>
    %get3A_18 = vector.shape_cast %get3A_17 : vector<1x1000x1xf32> to vector<1000xf32>
    %add3A_19 = arith.addf %get3A_13, %get3A_18 : vector<1000xf32>
    %get3A_20 = arith.constant 0 : index
    %get3A_21 = arith.constant 0 : index
    %get3A_22 = vector.load %arg4[%get3A_20, %get3A_21] : memref<128x128xf32, #tpu.memory_space<vmem>>, vector<128x128xf32>
    %dot_general3A = arith.constant dense<0.000000e+00> : vector<1000x128xf32>
    %dot_general3A_23 = tpu.matmul %add3A, %get3A_22, %dot_general3A {dimension_numbers = #tpu.dot_dimension_numbers<[1], [0], [0], [1], [0, 0, 1, 1], [], []>, transpose_lhs_hint = false} : vector<1000x128xf32>, vector<128x128xf32>, vector<1000x128xf32> -> vector<1000x128xf32>
    %broadcast_in_dim3A = vector.shape_cast %add3A_19 : vector<1000xf32> to vector<1000x1xf32>
    %get3A_24 = arith.constant 0 : index
    %get3A_25 = arith.constant 0 : index
    %get3A_26 = vector.load %arg5[%get3A_24, %get3A_25] : memref<1x128xf32, #tpu.memory_space<vmem>>, vector<1x128xf32>
    %mul3A = vector.broadcast %broadcast_in_dim3A : vector<1000x1xf32> to vector<1000x128xf32>
    %mul3A_27 = vector.broadcast %get3A_26 : vector<1x128xf32> to vector<1000x128xf32>
    %mul3A_28 = arith.mulf %mul3A, %mul3A_27 : vector<1000x128xf32>
    %add3A_29 = arith.addf %dot_general3A_23, %mul3A_28 : vector<1000x128xf32>
    %get3A_30 = arith.constant 0 : index
    %get3A_31 = arith.constant 0 : index
    %get3A_32 = vector.load %arg1[%get3A_30, %get3A_31] : memref<1000x128xf32, #tpu.memory_space<vmem>>, vector<1000x128xf32>
    %get3A_33 = arith.constant 0 : index
    %get3A_34 = arith.constant 0 : index
    %get3A_35 = vector.load %arg6[%get3A_33, %get3A_34] : memref<256x128xf32, #tpu.memory_space<vmem>>, vector<128x128xf32>
    %dot_general3A_36 = arith.constant dense<0.000000e+00> : vector<1000x128xf32>
    %dot_general3A_37 = tpu.matmul %get3A_32, %get3A_35, %dot_general3A_36 {dimension_numbers = #tpu.dot_dimension_numbers<[1], [0], [0], [1], [0, 0, 1, 1], [], []>, transpose_lhs_hint = false} : vector<1000x128xf32>, vector<128x128xf32>, vector<1000x128xf32> -> vector<1000x128xf32>
    %get3A_38 = arith.constant 128 : index
    %get3A_39 = arith.constant 0 : index
    %get3A_40 = vector.load %arg6[%get3A_38, %get3A_39] : memref<256x128xf32, #tpu.memory_space<vmem>>, vector<128x128xf32>
    %dot_general3A_41 = arith.constant dense<0.000000e+00> : vector<1000x128xf32>
    %dot_general3A_42 = tpu.matmul %add3A_29, %get3A_40, %dot_general3A_41 {dimension_numbers = #tpu.dot_dimension_numbers<[1], [0], [0], [1], [0, 0, 1, 1], [], []>, transpose_lhs_hint = false} : vector<1000x128xf32>, vector<128x128xf32>, vector<1000x128xf32> -> vector<1000x128xf32>
    %add3A_43 = arith.addf %dot_general3A_37, %dot_general3A_42 : vector<1000x128xf32>
    %get3A_44 = arith.constant 0 : index
    %get3A_45 = arith.constant 0 : index
    %get3A_46 = vector.load %arg7[%get3A_44, %get3A_45] : memref<1x128xf32, #tpu.memory_space<vmem>>, vector<1x128xf32>
    %add3A_47 = vector.broadcast %get3A_46 : vector<1x128xf32> to vector<1000x128xf32>
    %add3A_48 = arith.addf %add3A_43, %add3A_47 : vector<1000x128xf32>
    %max3A = arith.constant 0.000000e+00 : f32
    %max3A_49 = vector.broadcast %max3A : f32 to vector<1000x128xf32>
    %max3A_50 = arith.maximumf %add3A_48, %max3A_49 : vector<1000x128xf32>
    %get3A_51 = arith.constant 0 : index
    %get3A_52 = arith.constant 0 : index
    %get3A_53 = vector.load %arg8[%get3A_51, %get3A_52] : memref<128x128xf32, #tpu.memory_space<vmem>>, vector<128x128xf32>
    %dot_general3A_54 = arith.constant dense<0.000000e+00> : vector<1000x128xf32>
    %dot_general3A_55 = tpu.matmul %max3A_50, %get3A_53, %dot_general3A_54 {dimension_numbers = #tpu.dot_dimension_numbers<[1], [0], [0], [1], [0, 0, 1, 1], [], []>, transpose_lhs_hint = false} : vector<1000x128xf32>, vector<128x128xf32>, vector<1000x128xf32> -> vector<1000x128xf32>
    %get3A_56 = arith.constant 0 : index
    %get3A_57 = arith.constant 0 : index
    %get3A_58 = vector.load %arg9[%get3A_56, %get3A_57] : memref<1x128xf32, #tpu.memory_space<vmem>>, vector<1x128xf32>
    %add3A_59 = vector.broadcast %get3A_58 : vector<1x128xf32> to vector<1000x128xf32>
    %add3A_60 = arith.addf %dot_general3A_55, %add3A_59 : vector<1000x128xf32>
    %swap3A = arith.constant 0 : index
    %swap3A_61 = arith.constant 0 : index
    %swap3A_62 = vector.load %arg10[%swap3A, %swap3A_61] : memref<1000x128xf32, #tpu.memory_space<vmem>>, vector<1000x128xf32>
    tpu.vector_store %arg10[%swap3A, %swap3A_61], %add3A_60 {strides = array<i32>} : memref<1000x128xf32, #tpu.memory_space<vmem>>, vector<1000x128xf32>,
    return
  }
  func.func @transform_0(%arg0: i32) -> (i32, i32) {
    %c0_i32 = arith.constant 0 : i32
    %c0_i32_0 = arith.constant 0 : i32
    return %arg0, %c0_i32 : i32, i32
  }
  func.func @transform_1(%arg0: i32) -> (i32, i32, i32) {
    %c0_i32 = arith.constant 0 : i32
    %c0_i32_0 = arith.constant 0 : i32
    %c0_i32_1 = arith.constant 0 : i32
    return %c0_i32, %arg0, %c0_i32_0 : i32, i32, i32
  }
  func.func @transform_2(%arg0: i32) -> (i32, i32, i32) {
    %c0_i32 = arith.constant 0 : i32
    %c0_i32_0 = arith.constant 0 : i32
    %c0_i32_1 = arith.constant 0 : i32
    return %c0_i32, %arg0, %c0_i32_0 : i32, i32, i32
  }
  func.func @transform_3(%arg0: i32) -> (i32, i32) {
    %c0_i32 = arith.constant 0 : i32
    %c0_i32_0 = arith.constant 0 : i32
    %c0_i32_1 = arith.constant 0 : i32
    return %c0_i32, %c0_i32_0 : i32, i32
  }
  func.func @transform_4(%arg0: i32) -> (i32, i32) {
    %c0_i32 = arith.constant 0 : i32
    %c0_i32_0 = arith.constant 0 : i32
    %c0_i32_1 = arith.constant 0 : i32
    return %c0_i32, %c0_i32_0 : i32, i32
  }
  func.func @transform_5(%arg0: i32) -> (i32, i32) {
    %c0_i32 = arith.constant 0 : i32
    %c0_i32_0 = arith.constant 0 : i32
    %c0_i32_1 = arith.constant 0 : i32
    return %c0_i32, %c0_i32_0 : i32, i32
  }
  func.func @transform_6(%arg0: i32) -> (i32, i32) {
    %c0_i32 = arith.constant 0 : i32
    %c0_i32_0 = arith.constant 0 : i32
    %c0_i32_1 = arith.constant 0 : i32
    return %c0_i32, %c0_i32_0 : i32, i32
  }
  func.func @transform_7(%arg0: i32) -> (i32, i32) {
    %c0_i32 = arith.constant 0 : i32
    %c0_i32_0 = arith.constant 0 : i32
    %c0_i32_1 = arith.constant 0 : i32
    return %c0_i32, %c0_i32_0 : i32, i32
  }
  func.func @transform_8(%arg0: i32) -> (i32, i32) {
    %c0_i32 = arith.constant 0 : i32
    %c0_i32_0 = arith.constant 0 : i32
    %c0_i32_1 = arith.constant 0 : i32
    return %c0_i32, %c0_i32_0 : i32, i32
  }
  func.func @transform_9(%arg0: i32) -> (i32, i32) {
    %c0_i32 = arith.constant 0 : i32
    %c0_i32_0 = arith.constant 0 : i32
    return %arg0, %c0_i32 : i32, i32
  }
}

module attributes {stable_mosaic.version = 14 : i64} {
  func.func @_layer_pool_body(%arg0: i32, %arg1: memref<1000x128xf32, #tpu.memory_space<vmem>>, %arg2: memref<2x1000x128xf32, #tpu.memory_space<vmem>>, %arg3: memref<2x1000x16xf32, #tpu.memory_space<vmem>>, %arg4: memref<128x128xf32, #tpu.memory_space<vmem>>, %arg5: memref<1x128xf32, #tpu.memory_space<vmem>>, %arg6: memref<256x128xf32, #tpu.memory_space<vmem>>, %arg7: memref<1x128xf32, #tpu.memory_space<vmem>>, %arg8: memref<128x128xf32, #tpu.memory_space<vmem>>, %arg9: memref<1x128xf32, #tpu.memory_space<vmem>>, %arg10: memref<128x128xf32, #tpu.memory_space<vmem>>, %arg11: memref<1x128xf32, #tpu.memory_space<vmem>>, %arg12: memref<1x128xf32, #tpu.memory_space<vmem>>, %arg13: memref<1x128xf32, #tpu.memory_space<vmem>>) attributes {dimension_semantics = [#tpu.dimension_semantics<arbitrary>], iteration_bounds = array<i64: 10>, scalar_prefetch = 0 : i64, scratch_operands = 1 : i64, tpu.core_type = #tpu.core_type<tc>, window_params = [{transform_indices = @transform_0, window_bounds = array<i64: 1000, 128>}, {transform_indices = @transform_1, window_bounds = array<i64: 2, 1000, 128>}, {transform_indices = @transform_2, window_bounds = array<i64: 2, 1000, 16>}, {pipeline_mode = #tpu.pipeline_mode<synchronous>, transform_indices = @transform_3, window_bounds = array<i64: 128, 128>}, {pipeline_mode = #tpu.pipeline_mode<synchronous>, transform_indices = @transform_4, window_bounds = array<i64: 1, 128>}, {pipeline_mode = #tpu.pipeline_mode<synchronous>, transform_indices = @transform_5, window_bounds = array<i64: 256, 128>}, {pipeline_mode = #tpu.pipeline_mode<synchronous>, transform_indices = @transform_6, window_bounds = array<i64: 1, 128>}, {pipeline_mode = #tpu.pipeline_mode<synchronous>, transform_indices = @transform_7, window_bounds = array<i64: 128, 128>}, {pipeline_mode = #tpu.pipeline_mode<synchronous>, transform_indices = @transform_8, window_bounds = array<i64: 1, 128>}, {pipeline_mode = #tpu.pipeline_mode<synchronous>, transform_indices = @transform_9, window_bounds = array<i64: 128, 128>}, {pipeline_mode = #tpu.pipeline_mode<synchronous>, transform_indices = @transform_10, window_bounds = array<i64: 1, 128>}, {pipeline_mode = #tpu.pipeline_mode<synchronous>, transform_indices = @transform_11, window_bounds = array<i64: 1, 128>}]} {
    %get3A = arith.constant 0 : index
    %get3A_0 = arith.constant 0 : index
    %get3A_1 = arith.constant 0 : index
    %get3A_2 = vector.load %arg2[%get3A, %get3A_0, %get3A_1] : memref<2x1000x128xf32, #tpu.memory_space<vmem>>, vector<1x1000x128xf32>
    %get3A_3 = vector.shape_cast %get3A_2 : vector<1x1000x128xf32> to vector<1000x128xf32>
    %get3A_4 = arith.constant 1 : index
    %get3A_5 = arith.constant 0 : index
    %get3A_6 = arith.constant 0 : index
    %get3A_7 = vector.load %arg2[%get3A_4, %get3A_5, %get3A_6] : memref<2x1000x128xf32, #tpu.memory_space<vmem>>, vector<1x1000x128xf32>
    %get3A_8 = vector.shape_cast %get3A_7 : vector<1x1000x128xf32> to vector<1000x128xf32>
    %add3A = arith.addf %get3A_3, %get3A_8 : vector<1000x128xf32>
    %get3A_9 = arith.constant 0 : index
    %get3A_10 = arith.constant 0 : index
    %get3A_11 = arith.constant 0 : index
    %get3A_12 = vector.load %arg3[%get3A_9, %get3A_10, %get3A_11] : memref<2x1000x16xf32, #tpu.memory_space<vmem>>, vector<1x1000x1xf32>
    %get3A_13 = vector.shape_cast %get3A_12 : vector<1x1000x1xf32> to vector<1000xf32>
    %get3A_14 = arith.constant 1 : index
    %get3A_15 = arith.constant 0 : index
    %get3A_16 = arith.constant 0 : index
    %get3A_17 = vector.load %arg3[%get3A_14, %get3A_15, %get3A_16] : memref<2x1000x16xf32, #tpu.memory_space<vmem>>, vector<1x1000x1xf32>
    %get3A_18 = vector.shape_cast %get3A_17 : vector<1x1000x1xf32> to vector<1000xf32>
    %add3A_19 = arith.addf %get3A_13, %get3A_18 : vector<1000xf32>
    %get3A_20 = arith.constant 0 : index
    %get3A_21 = arith.constant 0 : index
    %get3A_22 = vector.load %arg4[%get3A_20, %get3A_21] : memref<128x128xf32, #tpu.memory_space<vmem>>, vector<128x128xf32>
    %dot_general3A = arith.constant dense<0.000000e+00> : vector<1000x128xf32>
    %dot_general3A_23 = tpu.matmul %add3A, %get3A_22, %dot_general3A {dimension_numbers = #tpu.dot_dimension_numbers<[1], [0], [0], [1], [0, 0, 1, 1], [], []>, transpose_lhs_hint = false} : vector<1000x128xf32>, vector<128x128xf32>, vector<1000x128xf32> -> vector<1000x128xf32>
    %broadcast_in_dim3A = vector.shape_cast %add3A_19 : vector<1000xf32> to vector<1000x1xf32>
    %get3A_24 = arith.constant 0 : index
    %get3A_25 = arith.constant 0 : index
    %get3A_26 = vector.load %arg5[%get3A_24, %get3A_25] : memref<1x128xf32, #tpu.memory_space<vmem>>, vector<1x128xf32>
    %mul3A = vector.broadcast %broadcast_in_dim3A : vector<1000x1xf32> to vector<1000x128xf32>
    %mul3A_27 = vector.broadcast %get3A_26 : vector<1x128xf32> to vector<1000x128xf32>
    %mul3A_28 = arith.mulf %mul3A, %mul3A_27 : vector<1000x128xf32>
    %add3A_29 = arith.addf %dot_general3A_23, %mul3A_28 : vector<1000x128xf32>
    %get3A_30 = arith.constant 0 : index
    %get3A_31 = arith.constant 0 : index
    %get3A_32 = vector.load %arg1[%get3A_30, %get3A_31] : memref<1000x128xf32, #tpu.memory_space<vmem>>, vector<1000x128xf32>
    %get3A_33 = arith.constant 0 : index
    %get3A_34 = arith.constant 0 : index
    %get3A_35 = vector.load %arg6[%get3A_33, %get3A_34] : memref<256x128xf32, #tpu.memory_space<vmem>>, vector<128x128xf32>
    %dot_general3A_36 = arith.constant dense<0.000000e+00> : vector<1000x128xf32>
    %dot_general3A_37 = tpu.matmul %get3A_32, %get3A_35, %dot_general3A_36 {dimension_numbers = #tpu.dot_dimension_numbers<[1], [0], [0], [1], [0, 0, 1, 1], [], []>, transpose_lhs_hint = false} : vector<1000x128xf32>, vector<128x128xf32>, vector<1000x128xf32> -> vector<1000x128xf32>
    %get3A_38 = arith.constant 128 : index
    %get3A_39 = arith.constant 0 : index
    %get3A_40 = vector.load %arg6[%get3A_38, %get3A_39] : memref<256x128xf32, #tpu.memory_space<vmem>>, vector<128x128xf32>
    %dot_general3A_41 = arith.constant dense<0.000000e+00> : vector<1000x128xf32>
    %dot_general3A_42 = tpu.matmul %add3A_29, %get3A_40, %dot_general3A_41 {dimension_numbers = #tpu.dot_dimension_numbers<[1], [0], [0], [1], [0, 0, 1, 1], [], []>, transpose_lhs_hint = false} : vector<1000x128xf32>, vector<128x128xf32>, vector<1000x128xf32> -> vector<1000x128xf32>
    %add3A_43 = arith.addf %dot_general3A_37, %dot_general3A_42 : vector<1000x128xf32>
    %get3A_44 = arith.constant 0 : index
    %get3A_45 = arith.constant 0 : index
    %get3A_46 = vector.load %arg7[%get3A_44, %get3A_45] : memref<1x128xf32, #tpu.memory_space<vmem>>, vector<1x128xf32>
    %add3A_47 = vector.broadcast %get3A_46 : vector<1x128xf32> to vector<1000x128xf32>
    %add3A_48 = arith.addf %add3A_43, %add3A_47 : vector<1000x128xf32>
    %max3A = arith.constant 0.000000e+00 : f32
    %max3A_49 = vector.broadcast %max3A : f32 to vector<1000x128xf32>
    %max3A_50 = arith.maximumf %add3A_48, %max3A_49 : vector<1000x128xf32>
    %get3A_51 = arith.constant 0 : index
    %get3A_52 = arith.constant 0 : index
    %get3A_53 = vector.load %arg8[%get3A_51, %get3A_52] : memref<128x128xf32, #tpu.memory_space<vmem>>, vector<128x128xf32>
    %dot_general3A_54 = arith.constant dense<0.000000e+00> : vector<1000x128xf32>
    %dot_general3A_55 = tpu.matmul %max3A_50, %get3A_53, %dot_general3A_54 {dimension_numbers = #tpu.dot_dimension_numbers<[1], [0], [0], [1], [0, 0, 1, 1], [], []>, transpose_lhs_hint = false} : vector<1000x128xf32>, vector<128x128xf32>, vector<1000x128xf32> -> vector<1000x128xf32>
    %get3A_56 = arith.constant 0 : index
    %get3A_57 = arith.constant 0 : index
    %get3A_58 = vector.load %arg9[%get3A_56, %get3A_57] : memref<1x128xf32, #tpu.memory_space<vmem>>, vector<1x128xf32>
    %add3A_59 = vector.broadcast %get3A_58 : vector<1x128xf32> to vector<1000x128xf32>
    %add3A_60 = arith.addf %dot_general3A_55, %add3A_59 : vector<1000x128xf32>
    %eq3A = arith.constant 0 : i32
    %eq3A_61 = arith.cmpi eq, %arg0, %eq3A : i32
    %convert_element_type3A = arith.extui %eq3A_61 : i1 to i32
    %cond3A = arith.constant 0 : i32
    %cond3A_62 = arith.cmpi ne, %convert_element_type3A, %cond3A : i32
    scf.if %cond3A_62 {
      %broadcast_in_dim3A_76 = arith.constant 0.000000e+00 : f32
      %broadcast_in_dim3A_77 = vector.broadcast %broadcast_in_dim3A_76 : f32 to vector<1x128xf32>
      %swap3A_78 = arith.constant 0 : index
      %swap3A_79 = arith.constant 0 : index
      %swap3A_80 = vector.load %arg13[%swap3A_78, %swap3A_79] : memref<1x128xf32, #tpu.memory_space<vmem>>, vector<1x128xf32>
      tpu.vector_store %arg13[%swap3A_78, %swap3A_79], %broadcast_in_dim3A_77 {strides = array<i32>} : memref<1x128xf32, #tpu.memory_space<vmem>>, vector<1x128xf32>,
    } else {
    }
    %get3A_63 = arith.constant 0 : index
    %get3A_64 = arith.constant 0 : index
    %get3A_65 = vector.load %arg13[%get3A_63, %get3A_64] : memref<1x128xf32, #tpu.memory_space<vmem>>, vector<1x128xf32>
    %reduce_sum3A = arith.constant dense<0.000000e+00> : vector<128xf32>
    %reduce_sum3A_66 = vector.multi_reduction <add>, %add3A_60, %reduce_sum3A [0] : vector<1000x128xf32> to vector<128xf32>
    %broadcast_in_dim3A_67 = vector.shape_cast %reduce_sum3A_66 : vector<128xf32> to vector<1x128xf32>
    %add3A_68 = arith.addf %get3A_65, %broadcast_in_dim3A_67 : vector<1x128xf32>
    %swap3A = arith.constant 0 : index
    %swap3A_69 = arith.constant 0 : index
    %swap3A_70 = vector.load %arg13[%swap3A, %swap3A_69] : memref<1x128xf32, #tpu.memory_space<vmem>>, vector<1x128xf32>
    tpu.vector_store %arg13[%swap3A, %swap3A_69], %add3A_68 {strides = array<i32>} : memref<1x128xf32, #tpu.memory_space<vmem>>, vector<1x128xf32>,
    %eq3A_71 = arith.constant 9 : i32
    %eq3A_72 = arith.cmpi eq, %arg0, %eq3A_71 : i32
    %convert_element_type3A_73 = arith.extui %eq3A_72 : i1 to i32
    %cond3A_74 = arith.constant 0 : i32
    %cond3A_75 = arith.cmpi ne, %convert_element_type3A_73, %cond3A_74 : i32
    scf.if %cond3A_75 {
      %get3A_76 = arith.constant 0 : index
      %get3A_77 = arith.constant 0 : index
      %get3A_78 = vector.load %arg13[%get3A_76, %get3A_77] : memref<1x128xf32, #tpu.memory_space<vmem>>, vector<1x128xf32>
      %mul3A_79 = arith.constant 9.99999974E-5 : f32
      %mul3A_80 = vector.broadcast %mul3A_79 : f32 to vector<1x128xf32>
      %mul3A_81 = arith.mulf %get3A_78, %mul3A_80 : vector<1x128xf32>
      %get3A_82 = arith.constant 0 : index
      %get3A_83 = arith.constant 0 : index
      %get3A_84 = vector.load %arg10[%get3A_82, %get3A_83] : memref<128x128xf32, #tpu.memory_space<vmem>>, vector<128x128xf32>
      %dot_general3A_85 = arith.constant dense<0.000000e+00> : vector<1x128xf32>
      %dot_general3A_86 = tpu.matmul %mul3A_81, %get3A_84, %dot_general3A_85 {dimension_numbers = #tpu.dot_dimension_numbers<[1], [0], [0], [1], [0, 0, 1, 1], [], []>, transpose_lhs_hint = false} : vector<1x128xf32>, vector<128x128xf32>, vector<1x128xf32> -> vector<1x128xf32>
      %get3A_87 = arith.constant 0 : index
      %get3A_88 = arith.constant 0 : index
      %get3A_89 = vector.load %arg11[%get3A_87, %get3A_88] : memref<1x128xf32, #tpu.memory_space<vmem>>, vector<1x128xf32>
      %add3A_90 = arith.addf %dot_general3A_86, %get3A_89 : vector<1x128xf32>
      %swap3A_91 = arith.constant 0 : index
      %swap3A_92 = arith.constant 0 : index
      %swap3A_93 = vector.load %arg12[%swap3A_91, %swap3A_92] : memref<1x128xf32, #tpu.memory_space<vmem>>, vector<1x128xf32>
      tpu.vector_store %arg12[%swap3A_91, %swap3A_92], %add3A_90 {strides = array<i32>} : memref<1x128xf32, #tpu.memory_space<vmem>>, vector<1x128xf32>,
    } else {
    }
    return
  }
  func.func @transform_0(%arg0: i32) -> (i32, i32) {
    %c0_i32 = arith.constant 0 : i32
    %c0_i32_0 = arith.constant 0 : i32
    return %arg0, %c0_i32 : i32, i32
  }
  func.func @transform_1(%arg0: i32) -> (i32, i32, i32) {
    %c0_i32 = arith.constant 0 : i32
    %c0_i32_0 = arith.constant 0 : i32
    %c0_i32_1 = arith.constant 0 : i32
    return %c0_i32, %arg0, %c0_i32_0 : i32, i32, i32
  }
  func.func @transform_2(%arg0: i32) -> (i32, i32, i32) {
    %c0_i32 = arith.constant 0 : i32
    %c0_i32_0 = arith.constant 0 : i32
    %c0_i32_1 = arith.constant 0 : i32
    return %c0_i32, %arg0, %c0_i32_0 : i32, i32, i32
  }
  func.func @transform_3(%arg0: i32) -> (i32, i32) {
    %c0_i32 = arith.constant 0 : i32
    %c0_i32_0 = arith.constant 0 : i32
    %c0_i32_1 = arith.constant 0 : i32
    return %c0_i32, %c0_i32_0 : i32, i32
  }
  func.func @transform_4(%arg0: i32) -> (i32, i32) {
    %c0_i32 = arith.constant 0 : i32
    %c0_i32_0 = arith.constant 0 : i32
    %c0_i32_1 = arith.constant 0 : i32
    return %c0_i32, %c0_i32_0 : i32, i32
  }
  func.func @transform_5(%arg0: i32) -> (i32, i32) {
    %c0_i32 = arith.constant 0 : i32
    %c0_i32_0 = arith.constant 0 : i32
    %c0_i32_1 = arith.constant 0 : i32
    return %c0_i32, %c0_i32_0 : i32, i32
  }
  func.func @transform_6(%arg0: i32) -> (i32, i32) {
    %c0_i32 = arith.constant 0 : i32
    %c0_i32_0 = arith.constant 0 : i32
    %c0_i32_1 = arith.constant 0 : i32
    return %c0_i32, %c0_i32_0 : i32, i32
  }
  func.func @transform_7(%arg0: i32) -> (i32, i32) {
    %c0_i32 = arith.constant 0 : i32
    %c0_i32_0 = arith.constant 0 : i32
    %c0_i32_1 = arith.constant 0 : i32
    return %c0_i32, %c0_i32_0 : i32, i32
  }
  func.func @transform_8(%arg0: i32) -> (i32, i32) {
    %c0_i32 = arith.constant 0 : i32
    %c0_i32_0 = arith.constant 0 : i32
    %c0_i32_1 = arith.constant 0 : i32
    return %c0_i32, %c0_i32_0 : i32, i32
  }
  func.func @transform_9(%arg0: i32) -> (i32, i32) {
    %c0_i32 = arith.constant 0 : i32
    %c0_i32_0 = arith.constant 0 : i32
    %c0_i32_1 = arith.constant 0 : i32
    return %c0_i32, %c0_i32_0 : i32, i32
  }
  func.func @transform_10(%arg0: i32) -> (i32, i32) {
    %c0_i32 = arith.constant 0 : i32
    %c0_i32_0 = arith.constant 0 : i32
    %c0_i32_1 = arith.constant 0 : i32
    return %c0_i32, %c0_i32_0 : i32, i32
  }
  func.func @transform_11(%arg0: i32) -> (i32, i32) {
    %c0_i32 = arith.constant 0 : i32
    %c0_i32_0 = arith.constant 0 : i32
    %c0_i32_1 = arith.constant 0 : i32
    return %c0_i32, %c0_i32_0 : i32, i32
  }
}

</mosaic_0001>

<sc_bundles>
// kernel: kernel.10.cloned.1.call-start
scs
__scs_entry_jumppad:
0x0: {  	(pc) =	sbr.rel $0x88, $3  }
0x1: {  	(tag) =	ssettag $0x0;
	lr =	simm.s32 $0x1  }
0x2: {  	[smem:$0x3F91] =	sst lr;
	_ =	strace $0xD0000000  }
0x3: {  	_ = 	snop  }
0x4: {  	_ = 	snop  }
0x5: {  	_ = 	snop  }
0x6: {  	_ = 	snop  }
0x7: {  	_ = 	snop  }
__scs_overlays_trampoline_lowered:
0x8: {  	[smem:$0x3FA0] =	sst s0  }
0x9: {  	[smem:$0x3FA1] =	sst s1  }
0xa: {  	[smem:$0x3FA2] =	sst s2  }
0xb: {  	[smem:$0x3FA3] =	sst s3  }
0xc: {  	[smem:$0x3FA4] =	sst s4  }
0xd: {  	[smem:$0x3FA5] =	sst s5  }
0xe: {  	[smem:$0x3FA6] =	sst s6  }
0xf: {  	[smem:$0x3FA7] =	sst s7  }
0x10: {  	[smem:$0x3FA8] =	sst s8  }
0x11: {  	[smem:$0x3FA9] =	sst s9;
	s0 =	simm.s32 @!p0 $0x0  }
0x12: {  	s1 =	sld [smem:$0x3F8F];
	s0 =	simm.s32 @p0 $0x1  }
0x13: {  	[smem:$0x3FAA] =	sst s0;
	s0 =	simm.s32 @!p1 $0x0  }
0x14: {  	s2 =	sld [smem:$0x3F8E];
	s0 =	simm.s32 @p1 $0x1  }
0x15: {  	[smem:$0x3FAB] =	sst s0;
	s0 =	simm.s32 @!p2 $0x0  }
0x16: {  	s3 =	sld [smem:$0x3FDB];
	s0 =	simm.s32 @p2 $0x1  }
0x17: {  	s4 =	simm.s32 $0x1BF5;
	[smem:$0x3FAD] =	sst s0  }
0x18: {  	s0 =	sld [smem:$0x3F90];
	_ =	swait.ge [sflag:s4], $0x0  }
0x19: {  	s7 =	sld [smem:$0x3F91]  }
0x1a: {  	s8 =	sadd.s32 $0xFFFFE003, lr  }
0x1b: {  	s9 =	sadd.s32 $0xFFFFFEF7, lr;
	s5 =	simm.s32 $0xFFFFFFFF;
	p2 =	slt.u32 s8, $0xFFFFF086  }
0x1c: {  	p1 =	slt.u32 s9, $0xF7A;
	s5 =	simm.s32 @!p2 $0x0  }
0x1d: {  	s5 =	simm.s32 @p1 $0x1;
	p0 =	seq.s32 s7, s2  }
0x1e: {  	s7 =	smul.u32 @!p0 $0xF7A, s2;
	p2 =	seq.s32 @!p0 s5, $0x0  }
0x1f: {  	s9 =	smul.u32 $0xF7A, s1;
	s8 =	simm.s32 @!p0 $0x1BF5;
	p2 =	por !p2, p0  }
0x20: {  	[sflag:s8] =	ssyncset.s32 @!p0 $0xFFFFF086;
	s6 =	sadd.s32 @!p0 s3, s7;
	s7 =	simm.s32 @!p0 $0x108  }
0x21: {  	s3 =	sadd.s32 s3, s9;
	s6 =	sadd.s32 @!p0 $0x88, s6;
	s7 =	simm.s32 @p2 $0x1082  }
0x22: {  	[simem:s7], [sflag:s8] =	dma.local @!p0 [hbm:s6], $0xF7A  }
0x23: {  	s9 =	sor.u32 $0xD0000000, s2;
	s6 =	simm.s32 $0x108;
	_ =	swait.ge @!p0 [sflag:s8], $0x0  }
0x24: {  	s3 =	sadd.s32 $0x88, s3;
	s6 =	simm.s32 @!p1 $0x1082;
	[sflag:s4] =	ssyncset.s32 $0xFFFFF086  }
0x25: {  	[simem:s6], [sflag:s4] =	dma.local [hbm:s3], $0xF7A  }
0x26: {  	[smem:$0x3F91] =	sst s1;
	(tag) =	ssettag s2;
	_ =	strace s9  }
0x27: {  	s1 =	sld [smem:$0x3FA1]  }
0x28: {  	s2 =	sld [smem:$0x3FA2]  }
0x29: {  	s4 =	sld [smem:$0x3FA4]  }
0x2a: {  	p0 =	seq.s32 s5, $0x0;
	s5 =	sld [smem:$0x3FA5]  }
0x2b: {  	s6 =	sld [smem:$0x3FA6]  }
0x2c: {  	s7 =	sld [smem:$0x3FA7]  }
0x2d: {  	s3 =	simm.s32 $0x108;
	s8 =	sld [smem:$0x3FA8]  }
0x2e: {  	s3 =	simm.s32 @!p0 $0x1082;
	s9 =	sld [smem:$0x3FA9]  }
0x2f: {  	lr =	sadd.s32 s0, s3;
	s0 =	sld [smem:$0x3FA0]  }
0x30: {  	s3 =	sld [smem:$0x3FA3]  }
0x31: {  	[smem:$0x3FAC] =	sst s10  }
0x32: {  	s10 =	sld [smem:$0x3FAA];
	_ =	sdelay $0x3  }
0x33: {  	p0 =	seq.s32 s10, $0x1;
	s10 =	sld [smem:$0x3FAC];
	_ =	sdelay $0x3  }
0x34: {  	[smem:$0x3FAC] =	sst s10  }
0x35: {  	s10 =	sld [smem:$0x3FAB];
	_ =	sdelay $0x3  }
0x36: {  	p1 =	seq.s32 s10, $0x1;
	s10 =	sld [smem:$0x3FAC];
	_ =	sdelay $0x3  }
0x37: {  	[smem:$0x3FAC] =	sst s10  }
0x38: {  	s10 =	sld [smem:$0x3FAD]  }
0x39: {  	_ = 	snop;
	(pc) =	sbr.ind lr, $3  }
0x3a: {  	_ = 	snop  }
0x3b: {  	_ = 	snop  }
0x3c: {  	p2 =	seq.s32 s10, $0x1;
	s10 =	sld [smem:$0x3FAC]  }
0x3d: {  	_ =	shalt  }
0x3e: {  	_ =	shalt  }
0x3f: {  	_ =	shalt  }
0x40: {  	_ =	shalt  }
0x41: {  	_ =	shalt  }
0x42: {  	_ =	shalt  }
0x43: {  	_ =	shalt  }
0x44: {  	_ =	shalt  }
0x45: {  	_ =	shalt  }
0x46: {  	_ =	shalt  }
0x47: {  	_ =	shalt  }
0x48: {  	_ =	shalt  }
0x49: {  	_ =	shalt  }
0x4a: {  	_ =	shalt  }
0x4b: {  	_ =	shalt  }
0x4c: {  	_ =	shalt  }
0x4d: {  	_ =	shalt  }
0x4e: {  	_ =	shalt  }
0x4f: {  	_ =	shalt  }
0x50: {  	_ =	shalt  }
0x51: {  	_ =	shalt  }
0x52: {  	_ =	shalt  }
0x53: {  	_ =	shalt  }
0x54: {  	_ =	shalt  }
0x55: {  	_ =	shalt  }
0x56: {  	_ =	shalt  }
0x57: {  	_ =	shalt  }
0x58: {  	_ =	shalt  }
0x59: {  	_ =	shalt  }
0x5a: {  	_ =	shalt  }
0x5b: {  	_ =	shalt  }
0x5c: {  	_ =	shalt  }
0x5d: {  	_ =	shalt  }
0x5e: {  	_ =	shalt  }
0x5f: {  	_ =	shalt  }
0x60: {  	_ =	shalt  }
0x61: {  	_ =	shalt  }
0x62: {  	_ =	shalt  }
0x63: {  	_ =	shalt  }
0x64: {  	_ =	shalt  }
0x65: {  	_ =	shalt  }
0x66: {  	_ =	shalt  }
0x67: {  	_ =	shalt  }
0x68: {  	_ =	shalt  }
0x69: {  	_ =	shalt  }
0x6a: {  	_ =	shalt  }
0x6b: {  	_ =	shalt  }
0x6c: {  	_ =	shalt  }
0x6d: {  	_ =	shalt  }
0x6e: {  	_ =	shalt  }
0x6f: {  	_ =	shalt  }
0x70: {  	_ =	shalt  }
0x71: {  	_ =	shalt  }
0x72: {  	_ =	shalt  }
0x73: {  	_ =	shalt  }
0x74: {  	_ =	shalt  }
0x75: {  	_ =	shalt  }
0x76: {  	_ =	shalt  }
0x77: {  	_ =	shalt  }
0x78: {  	_ =	shalt  }
0x79: {  	_ =	shalt  }
0x7a: {  	_ =	shalt  }
0x7b: {  	_ =	shalt  }
0x7c: {  	_ =	shalt  }
0x7d: {  	_ =	shalt  }
0x7e: {  	_ =	shalt  }
0x7f: {  	_ =	shalt  }
0x80: {  	_ =	shalt  }
0x81: {  	_ =	shalt  }
0x82: {  	_ =	shalt  }
0x83: {  	_ =	shalt  }
0x84: {  	_ =	shalt  }
0x85: {  	_ =	shalt  }
0x86: {  	_ =	shalt  }
0x87: {  	_ =	shalt  }
.Lfunc_end0:
.L_simem_size_0:
called_computation.1_lowered:
.L_overlay_start_0:
0x88: {  	s2 =	sld [smem:$0x3FD9]  }
0x89: {  	s3 =	sld [smem:$0x3FFE];
	_ =	sdelay $0x1  }
0x8a: {  	s1 =	srdreg.scid  }
0x8b: {  	s0 =	sand.u32 $0x1, s1  }
0x8c: {  	s17 =	sshll.u32 s0, $0xA;
	s2 =	sadd.s32 s3, s2  }
0x8d: {  	s2 =	sadd.s32 s2, s17  }
0x8e: {  	[smem:$0x3FB8] =	sst s2  }
0x8f: {  	_ = 	snop  }
0x90: {  	s2 =	sld [smem:$0x3FC9];
	(tm) =	ssettm $0x1  }
0x91: {  	s18 =	sld [smem:$0x3FFB];
	_ =	sdelay $0x3  }
0x92: {  	_ =	strace s18  }
0x93: {  	s3 =	sld [smem:$0x3FFC];
	_ =	sdelay $0x3  }
0x94: {  	_ =	strace s3  }
0x95: {  	s3 =	sld [smem:$0x3FFD];
	_ =	sdelay $0x3  }
0x96: {  	_ =	strace s3  }
0x97: {  	_ =	strace $0x8FFFFFFF  }
0x98: {  	s19 =	sld [smem:$0x3FDB];
	_ =	sdelay $0x1  }
0x99: {  	s4 =	simm.s32 $_scs_section_size  }
0x9a: {  	s5 =	simm.s32 $_size__tile_overlayer_lowered;
	s6 =	simm.s32 $_tile_overlayer_lowered  }
0x9b: {  	s22 =	simm.s32 $0x1BFF;
	s21 =	sshll.u32 s6, $0x1;
	s3 =	sadd.s32 s4, s19  }
0x9c: {  	s7 =	simm.s32 $0x0;
	s20 =	sshll.u32 s5, $0x1;
	s5 =	sadd.s32 s21, s3  }
0x9d: {  	[timem:s7], [sflag:s22] =	dma.local [hbm:s5], s20  }
0x9e: {  	_ =	swait.ge [sflag:s22], s20  }
0x9f: {  	s4 =	ssub.s32 $0x0, s20;
	[sflag:s22] =	ssyncset.done $0x0  }
0xa0: {  	[sflag:s22] =	ssyncadd.s32 s4;
	_ =	sdelay $0x1  }
0xa1: {  	s23 =	simm.s32 $0x1B8B  }
0xa2: {  	_ =	swait.ge [sflag:s23], $0x1  }
0xa3: {  	[sflag:s23] =	ssyncset.done $0x0  }
0xa4: {  	s25 =	simm.s32 $0x1B8E;
	s24 =	sld [smem:$0x3FFE];
	[sflag:s23] =	ssyncadd.s32 $0xFFFFFFFF  }
0xa5: {  	s26 =	simm.s32 $execute0_lowered;
	[smem:$0x3FD2] =	sst s25  }
0xa6: {  	s5 =	sshll.u32 s26, $0x1;
	_ =	strace $0x80000046;
	[dreg:$0x1] =	wrdreg $0xFFFFFFFF  }
0xa7: {  	s28 =	simm.s32 $_size_execute0_lowered;
	s3 =	sadd.s32 s3, s5;
	[dreg:$0x0] =	wrdreg $0x0  }
0xa8: {  	s5 =	sshll.u32 s28, $0x1;
	[dreg:$0x2] =	wrdreg s3  }
0xa9: {  	[dreg:$0x3] =	wrdreg s5  }
0xaa: {  	[dreg:$0x4] =	wrdreg $0xC0  }
0xab: {  	_ =	task [dreg:s7], $0x5FFFF  }
0xac: {  	[dreg:$0x1] =	wrdreg $0xFFFFFFFF  }
0xad: {  	[dreg:$0x0] =	wrdreg $0x60  }
0xae: {  	[dreg:$0x2] =	wrdreg s2  }
0xaf: {  	[dreg:$0x3] =	wrdreg s24  }
0xb0: {  	[dreg:$0x4] =	wrdreg $0xA8000  }
0xb1: {  	[dreg:$0x5] =	wrdreg $0xA  }
0xb2: {  	_ =	task.clear_ibuf [dreg:s7], $0x6FFFF;
	_ =	strace $0x90000046  }
0xb3: {  	s29 =	simm.s32 $0xA;
	_ =	strace $0x80000048  }
0xb4: {  	_ =	swait.ge [sflag:s29], $0x1  }
0xb5: {  	[sflag:s29] =	ssyncadd.s32 $0xFFFFFFFF  }
0xb6: {  	_ =	strace $0x90000048  }
0xb7: {  	_ =	sfence  }
0xb8: {  	s30 =	sld [smem:$0x0];
	_ =	sdelay $0x2  }
0xb9: {  	s31 =	sshll.u32 s1, $0xD;
	s1 =	sshrl.u32 s1, $0x2  }
0xba: {  	s3 =	sand.u32 $0x4000, s31;
	s1 =	sadd.s32 s1, s30  }
0xbb: {  	s0 =	sor.u32 s3, s0;
	s1 =	sshll.u32 s1, $0x11  }
0xbc: {  	s0 =	sor.u32 s1, s0  }
0xbd: {  	s0 =	sadd.s32 $0x8F2B, s0  }
0xbe: {  	[sflag:s0] =	ssyncadd.remote.s32 $0x1  }
0xbf: {  	_ =	sfence.sel $0xFFFF  }
0xc0: {  	[dreg:$0x0] =	wrdreg $0xFFFFFFFF;
	(pc) =	sbr.abs _section_cstart, $3  }
0xc1: {  	[dreg:$0x1] =	wrdreg $0xFFFFFFFF  }
0xc2: {  	_ =	task.clear_ibuf [dreg:s7], $0x2FFFF;
	_ =	strace $0x9FFFFFFF  }
0xc3: {  	(tm) =	ssettm $0x7FFFFFFF  }
tec
execute0_lowered:
.L_overlay_start_1:
0x0: {  	(tag) =	ssettag $0x1  }
0x1: {  	s0 =	rddreg [dreg:$0x0]  }
0x2: {  	s6 =	rddreg [dreg:$0x1];
	s1 =	srdreg.scid  }
0x3: {  	s3 =	rddreg [dreg:$0x2];
	s2 =	stileid.u32;
	s4 =	simm.s32 $0x0  }
0x4: {  	s16 =	simm.s32 $0x80;
	s17 =	simm.s32 $0x2800;
	s18 =	simm.s32 $0x6800  }
0x5: {  	s19 =	simm.s32 $0x1;
	s20 =	simm.s32 $0x2;
	s21 =	simm.s32 $0x1480  }
0x6: {  	s22 =	simm.s32 $0x3;
	s23 =	simm.s32 $0x100;
	s24 =	simm.s32 $0x4  }
0x7: {  	s25 =	simm.s32 $0x0;
	s7 =	sand.u32 $0x1, s1;
	s1 =	rddreg [dreg:$0x3]  }
0x8: {  	s8 =	smul.u32 $0x13C00, s2;
	[smem:$0x7FF] =	sst s4;
	s11 =	sadd.s32 $0x3200, s6  }
0x9: {  	s12 =	sadd.s32 $0xD200, s6;
	s10 =	smul.u32 $0x4F000, s2;
	s13 =	sshll.u32 s2, $0x6  }
0xa: {  	s5 =	smul.u32 $0x13C000, s7;
	s9 =	ssub.s32 $0x2, s7;
	s7 =	sshll.u32 s7, $0x4  }
0xb: {  	_ =	strace $0x80000047;
	s30 =	sshrl.u32 s9, $0x1;
	s7 =	sor.u32 s2, s7  }
0xc: {  	s10 =	sshrl.u32 s10, $0x2;
	s8 =	sadd.s32 s8, s5;
	s5 =	sadd.s32 $0x17200, s6  }
0xd: {  	s14 =	smul.u32 $0x2800, s7;
	s9 =	ssub.s32 s9, s30;
	s8 =	sshrl.u32 s8, $0x3  }
.Ltmp0:
0xe: {  	s15 =	sadd.s32 s10, s3;
	s8 =	sadd.s32 s8, s6;
	(pc) =	sbr.rel .LBB2_1-.Ltmp0, $4  }
0xf: {  	s6 =	sor.u32 $0x1C05, s13;
	s31 =	sshrl.u32 s14, $0x3;
	s14 =	simm.s32 $0x5  }
0x10: {  	s7 =	sadd.s32 $0x19A00, s8;
	s8 =	smax.u32 s9, $0x1;
	s13 =	sadd.s32 $0x280, s31  }
0x11: {  	s9 =	sadd.s32 s11, s31;
	s10 =	sadd.s32 s12, s31;
	s11 =	sadd.s32 s11, s13  }
0x12: {  	s12 =	sadd.s32 s12, s13;
	s13 =	sshrl.u32 s15, $0x3;
	s15 =	simm.s32 $0x1400  }
.LBB2_7:
0x13: {  	_ =	swait.ge [sflag:s24], $0x4000  }
0x14: {  	s25 =	sadd.s32 $0x1, s25;
	[sflag:s24] =	ssyncset.done $0x0  }
0x15: {  	p0 =	sne.s32 s25, s8;
	[sflag:s24] =	ssyncadd.s32 $0xFFFFC000  }
.Ltmp1:
0x16: {  	[bflag:$0x0] =	sbarrier.arrive $0xFFFF;
	(pc) =	sbr.rel @!p0 .LBB2_8-.Ltmp1, $4  }
0x17: {  	[hbm:s7], [sflag:s6] =	dma.local [spmem:s13], $0x2780  }
0x18: {  	_ =	swait.ge [sflag:s14], $0x2780  }
0x19: {  	[sflag:s14] =	ssyncset.done $0x0  }
0x1a: {  	[sflag:s14] =	ssyncadd.s32 $0xFFFFD880  }
.LBB2_1:
0x1b: {  	[spmem:s13], [sflag:s6] =	dma.local [hbm:s5], $0x2780  }
0x1c: {  	_ =	swait.ge [sflag:s14], $0x2780  }
0x1d: {  	[sflag:s14] =	ssyncset.done $0x0  }
0x1e: {  	[sflag:s14] =	ssyncadd.s32 $0xFFFFD880  }
0x1f: {  	[bflag:$0x0] =	sbarrier.arrive $0xFFFF  }
0x20: {  	[tilespmem:s4], [sflag:$0x5] =	stream.linear.gather [hbm4b:s9+s4], $0x1400, $0x38;
	[tilespmem:$0x1E400] =	vst v63  }
0x21: {  	_ =	swait.ge [sflag:s14], $0x1400  }
0x22: {  	[sflag:s14] =	ssyncset.done $0x0  }
0x23: {  	[sflag:s14] =	ssyncadd.s32 $0xFFFFEC00  }
0x24: {  	[tilespmem:s15], [sflag:$0x5] =	stream.linear.gather [hbm4b:s10+s4], $0x1400, $0x38;
	[tilespmem:$0x1E400] =	vst v63  }
0x25: {  	_ =	swait.ge [sflag:s14], $0x1400  }
0x26: {  	[sflag:s14] =	ssyncset.done $0x0  }
0x27: {  	[sflag:s14] =	ssyncadd.s32 $0xFFFFEC00  }
0x28: {  	[tilespmem:s17], [sflag:$0x1] =	stream.indirect.gather [hbm4b:s0+s16], $0x80, s4, s16, $0xb8;
	[tilespmem:$0x1E400] =	vst v63  }
0x29: {  	_ = 	snop  }
0x2a: {  	[tilespmem:s18], [sflag:$0x2] =	stream.indirect.gather [hbm4b:s0+s16], $0x80, s16, s16, $0xb8;
	[tilespmem:$0x1E400] =	vst v63  }
0x2b: {  	_ =	swait.ge [sflag:s19], $0x4000  }
0x2c: {  	[sflag:s19] =	ssyncset.done $0x0  }
0x2d: {  	[sflag:s19] =	ssyncadd.s32 $0xFFFFC000  }
0x2e: {  	[spmem:s3] =	stream.indirect.scatter.add.f32 [tilespmem:s17], [sflag:$0x3], $0x80, s15, s16, $0xb8;
	[tilespmem:$0x1E400] =	vst v63  }
0x2f: {  	_ =	swait.ge [sflag:s20], $0x4000  }
0x30: {  	[sflag:s20] =	ssyncset.done $0x0  }
0x31: {  	[sflag:s20] =	ssyncadd.s32 $0xFFFFC000  }
0x32: {  	[spmem:s3] =	stream.indirect.scatter.add.f32 [tilespmem:s18], [sflag:$0x4], $0x80, s21, s16, $0xb8;
	[tilespmem:$0x1E400] =	vst v63  }
0x33: {  	_ =	swait.ge [sflag:s22], $0x4000  }
0x34: {  	[sflag:s22] =	ssyncset.done $0x0  }
0x35: {  	s26 =	simm.s32 $0xFFFFB800;
	[sflag:s22] =	ssyncadd.s32 $0xFFFFC000  }
0x36: {  	[tilespmem:s17], [sflag:$0x1] =	stream.indirect.gather [hbm4b:s0+s16], $0x80, s23, s16, $0xb8;
	[tilespmem:$0x1E400] =	vst v63  }
.LBB2_2:
0x37: {  	_ =	swait.ge [sflag:s24], $0x4000  }
0x38: {  	s28 =	sshra.s32 s26, $0x2;
	[sflag:s24] =	ssyncset.done $0x0  }
0x39: {  	s29 =	sadd.s32 $0x1380, s28;
	[sflag:s24] =	ssyncadd.s32 $0xFFFFC000  }
0x3a: {  	[tilespmem:s18], [sflag:$0x2] =	stream.indirect.gather [hbm4b:s0+s16], $0x80, s29, s16, $0xb8;
	[tilespmem:$0x1E400] =	vst v63  }
0x3b: {  	_ =	swait.ge [sflag:s19], $0x4000  }
0x3c: {  	[sflag:s19] =	ssyncset.done $0x0  }
0x3d: {  	s30 =	sadd.s32 $0x2700, s28;
	[sflag:s19] =	ssyncadd.s32 $0xFFFFC000  }
0x3e: {  	[spmem:s3] =	stream.indirect.scatter.add.f32 [tilespmem:s17], [sflag:$0x3], $0x80, s30, s16, $0xb8;
	[tilespmem:$0x1E400] =	vst v63  }
0x3f: {  	_ =	swait.ge [sflag:s20], $0x4000  }
0x40: {  	p0 =	seq.s32 s26, $0x0;
	[sflag:s20] =	ssyncset.done $0x0  }
.Ltmp2:
0x41: {  	s31 =	sadd.s32 $0x2780, s28;
	[sflag:s20] =	ssyncadd.s32 $0xFFFFC000;
	(pc) =	sbr.rel @p0 .LBB2_4-.Ltmp2, $4  }
0x42: {  	[spmem:s3] =	stream.indirect.scatter.add.f32 [tilespmem:s18], [sflag:$0x4], $0x80, s31, s16, $0xb8;
	[tilespmem:$0x1E400] =	vst v63  }
0x43: {  	_ =	swait.ge [sflag:s22], $0x4000  }
0x44: {  	[sflag:s22] =	ssyncset.done $0x0  }
0x45: {  	[sflag:s22] =	ssyncadd.s32 $0xFFFFC000  }
.Ltmp3:
0x46: {  	(pc) =	sbr.rel .LBB2_2-.Ltmp3, $3  }
0x47: {  	_ =	sdelay $0x1  }
0x48: {  	s28 =	sadd.s32 $0x1400, s28;
	s26 =	sadd.s32 $0x400, s26  }
0x49: {  	[tilespmem:s17], [sflag:$0x1] =	stream.indirect.gather [hbm4b:s0+s16], $0x80, s28, s16, $0xb8;
	[tilespmem:$0x1E400] =	vst v63  }
.LBB2_4:
0x4a: {  	_ =	swait.ge [sflag:s24], $0x4000  }
0x4b: {  	[sflag:s24] =	ssyncset.done $0x0  }
0x4c: {  	[sflag:s24] =	ssyncadd.s32 $0xFFFFC000  }
0x4d: {  	[tilespmem:s4], [sflag:$0x5] =	stream.linear.gather [hbm4b:s11+s4], $0x1400, $0x38;
	[tilespmem:$0x1E400] =	vst v63  }
0x4e: {  	_ =	swait.ge [sflag:s14], $0x1400  }
0x4f: {  	[sflag:s14] =	ssyncset.done $0x0  }
0x50: {  	[sflag:s14] =	ssyncadd.s32 $0xFFFFEC00  }
0x51: {  	[tilespmem:s15], [sflag:$0x5] =	stream.linear.gather [hbm4b:s12+s4], $0x1400, $0x38;
	[tilespmem:$0x1E400] =	vst v63  }
0x52: {  	_ =	swait.ge [sflag:s14], $0x1400  }
0x53: {  	[sflag:s14] =	ssyncset.done $0x0  }
0x54: {  	[sflag:s14] =	ssyncadd.s32 $0xFFFFEC00  }
0x55: {  	[tilespmem:s17], [sflag:$0x1] =	stream.indirect.gather [hbm4b:s0+s16], $0x80, s4, s16, $0xb8;
	[tilespmem:$0x1E400] =	vst v63  }
0x56: {  	_ = 	snop  }
0x57: {  	[tilespmem:s18], [sflag:$0x2] =	stream.indirect.gather [hbm4b:s0+s16], $0x80, s16, s16, $0xb8;
	[tilespmem:$0x1E400] =	vst v63  }
0x58: {  	_ =	swait.ge [sflag:s19], $0x4000  }
0x59: {  	[sflag:s19] =	ssyncset.done $0x0  }
0x5a: {  	[sflag:s19] =	ssyncadd.s32 $0xFFFFC000  }
0x5b: {  	[spmem:s3] =	stream.indirect.scatter.add.f32 [tilespmem:s17], [sflag:$0x3], $0x80, s15, s16, $0xb8;
	[tilespmem:$0x1E400] =	vst v63  }
0x5c: {  	_ =	swait.ge [sflag:s20], $0x4000  }
0x5d: {  	[sflag:s20] =	ssyncset.done $0x0  }
0x5e: {  	[sflag:s20] =	ssyncadd.s32 $0xFFFFC000  }
0x5f: {  	[spmem:s3] =	stream.indirect.scatter.add.f32 [tilespmem:s18], [sflag:$0x4], $0x80, s21, s16, $0xb8;
	[tilespmem:$0x1E400] =	vst v63  }
0x60: {  	_ =	swait.ge [sflag:s22], $0x4000  }
0x61: {  	[sflag:s22] =	ssyncset.done $0x0  }
0x62: {  	s26 =	simm.s32 $0xFFFFB800;
	[sflag:s22] =	ssyncadd.s32 $0xFFFFC000  }
0x63: {  	[tilespmem:s17], [sflag:$0x1] =	stream.indirect.gather [hbm4b:s0+s16], $0x80, s23, s16, $0xb8;
	[tilespmem:$0x1E400] =	vst v63  }
.LBB2_5:
0x64: {  	_ =	swait.ge [sflag:s24], $0x4000  }
0x65: {  	s28 =	sshra.s32 s26, $0x2;
	[sflag:s24] =	ssyncset.done $0x0  }
0x66: {  	s29 =	sadd.s32 $0x1380, s28;
	[sflag:s24] =	ssyncadd.s32 $0xFFFFC000  }
0x67: {  	[tilespmem:s18], [sflag:$0x2] =	stream.indirect.gather [hbm4b:s0+s16], $0x80, s29, s16, $0xb8;
	[tilespmem:$0x1E400] =	vst v63  }
0x68: {  	_ =	swait.ge [sflag:s19], $0x4000  }
0x69: {  	[sflag:s19] =	ssyncset.done $0x0  }
0x6a: {  	s30 =	sadd.s32 $0x2700, s28;
	[sflag:s19] =	ssyncadd.s32 $0xFFFFC000  }
0x6b: {  	[spmem:s3] =	stream.indirect.scatter.add.f32 [tilespmem:s17], [sflag:$0x3], $0x80, s30, s16, $0xb8;
	[tilespmem:$0x1E400] =	vst v63  }
0x6c: {  	_ =	swait.ge [sflag:s20], $0x4000  }
0x6d: {  	p0 =	seq.s32 s26, $0x0;
	[sflag:s20] =	ssyncset.done $0x0  }
.Ltmp4:
0x6e: {  	s31 =	sadd.s32 $0x2780, s28;
	[sflag:s20] =	ssyncadd.s32 $0xFFFFC000;
	(pc) =	sbr.rel @p0 .LBB2_7-.Ltmp4, $4  }
0x6f: {  	[spmem:s3] =	stream.indirect.scatter.add.f32 [tilespmem:s18], [sflag:$0x4], $0x80, s31, s16, $0xb8;
	[tilespmem:$0x1E400] =	vst v63  }
0x70: {  	_ =	swait.ge [sflag:s22], $0x4000  }
0x71: {  	[sflag:s22] =	ssyncset.done $0x0  }
0x72: {  	[sflag:s22] =	ssyncadd.s32 $0xFFFFC000  }
.Ltmp5:
0x73: {  	(pc) =	sbr.rel .LBB2_5-.Ltmp5, $3  }
0x74: {  	_ =	sdelay $0x1  }
0x75: {  	s28 =	sadd.s32 $0x1400, s28;
	s26 =	sadd.s32 $0x400, s26  }
0x76: {  	[tilespmem:s17], [sflag:$0x1] =	stream.indirect.gather [hbm4b:s0+s16], $0x80, s28, s16, $0xb8;
	[tilespmem:$0x1E400] =	vst v63  }
.LBB2_8:
0x77: {  	_ =	sfence.sel $0x180000  }
0x78: {  	[bflag:$0x0] =	sbarrier.arrive $0xFFFF  }
0x79: {  	p0 =	sne.s32 s2, $0x0;
	_ =	strace $0x90000047  }
0x7a: {  	s0 =	sadd.s32 @!p0 $0x100000, s1;
	[bflag:$0x2] =	sbarrier.arrive $0xFFFF  }
0x7b: {  	[sflag:s0] =	ssyncadd.tile.s32 @!p0 $0x1;
	_ =	shalt  }
.Lfunc_end2:
_tile_overlayer_lowered:
.L_overlay_start_2:
0x7c: {  	(tag) =	ssettag $0x2  }
0x7d: {  	s0 =	rddreg [dreg:$0x0];
	s2 =	stileid.u32  }
0x7e: {  	s1 =	rddreg [dreg:$0x1];
	p0 =	sne.s32 s2, $0x0  }
0x7f: {  	s3 =	rddreg [dreg:$0x2];
	[bflag:$0x3] =	sbarrier.arrive $0xFFFF;
	s2 =	simm.s32 @!p0 $0x1C05  }
0x80: {  	[timem:s3], [sflag:s2] =	dma.local @!p0 [hbm:s0], s1  }
0x81: {  	s0 =	simm.s32 @!p0 $0x5  }
0x82: {  	_ =	swait.ge @!p0 [sflag:s0], s1  }
0x83: {  	s1 =	ssub.s32 @!p0 $0x0, s1;
	[sflag:s0] =	ssyncset.done @!p0 $0x0  }
0x84: {  	[sflag:s0] =	ssyncadd.s32 @!p0 s1  }
0x85: {  	[bflag:$0x3] =	sbarrier.arrive $0xFFFF  }
0x86: {  	_ =	shalt  }

// kernel: kernel.13.cloned.1.call-start
scs
__scs_entry_jumppad:
0x0: {  	(pc) =	sbr.rel $0x88, $3  }
0x1: {  	(tag) =	ssettag $0x0;
	lr =	simm.s32 $0x1  }
0x2: {  	[smem:$0x3F91] =	sst lr;
	_ =	strace $0xD0000000  }
0x3: {  	_ = 	snop  }
0x4: {  	_ = 	snop  }
0x5: {  	_ = 	snop  }
0x6: {  	_ = 	snop  }
0x7: {  	_ = 	snop  }
__scs_overlays_trampoline_lowered:
0x8: {  	[smem:$0x3FA0] =	sst s0  }
0x9: {  	[smem:$0x3FA1] =	sst s1  }
0xa: {  	[smem:$0x3FA2] =	sst s2  }
0xb: {  	[smem:$0x3FA3] =	sst s3  }
0xc: {  	[smem:$0x3FA4] =	sst s4  }
0xd: {  	[smem:$0x3FA5] =	sst s5  }
0xe: {  	[smem:$0x3FA6] =	sst s6  }
0xf: {  	[smem:$0x3FA7] =	sst s7  }
0x10: {  	[smem:$0x3FA8] =	sst s8  }
0x11: {  	[smem:$0x3FA9] =	sst s9;
	s0 =	simm.s32 @!p0 $0x0  }
0x12: {  	s1 =	sld [smem:$0x3F8F];
	s0 =	simm.s32 @p0 $0x1  }
0x13: {  	[smem:$0x3FAA] =	sst s0;
	s0 =	simm.s32 @!p1 $0x0  }
0x14: {  	s2 =	sld [smem:$0x3F8E];
	s0 =	simm.s32 @p1 $0x1  }
0x15: {  	[smem:$0x3FAB] =	sst s0;
	s0 =	simm.s32 @!p2 $0x0  }
0x16: {  	s3 =	sld [smem:$0x3FDB];
	s0 =	simm.s32 @p2 $0x1  }
0x17: {  	s4 =	simm.s32 $0x1BF5;
	[smem:$0x3FAD] =	sst s0  }
0x18: {  	s0 =	sld [smem:$0x3F90];
	_ =	swait.ge [sflag:s4], $0x0  }
0x19: {  	s7 =	sld [smem:$0x3F91]  }
0x1a: {  	s8 =	sadd.s32 $0xFFFFE003, lr  }
0x1b: {  	s9 =	sadd.s32 $0xFFFFFEF7, lr;
	s5 =	simm.s32 $0xFFFFFFFF;
	p2 =	slt.u32 s8, $0xFFFFF086  }
0x1c: {  	p1 =	slt.u32 s9, $0xF7A;
	s5 =	simm.s32 @!p2 $0x0  }
0x1d: {  	s5 =	simm.s32 @p1 $0x1;
	p0 =	seq.s32 s7, s2  }
0x1e: {  	s7 =	smul.u32 @!p0 $0xF7A, s2;
	p2 =	seq.s32 @!p0 s5, $0x0  }
0x1f: {  	s9 =	smul.u32 $0xF7A, s1;
	s8 =	simm.s32 @!p0 $0x1BF5;
	p2 =	por !p2, p0  }
0x20: {  	[sflag:s8] =	ssyncset.s32 @!p0 $0xFFFFF086;
	s6 =	sadd.s32 @!p0 s3, s7;
	s7 =	simm.s32 @!p0 $0x108  }
0x21: {  	s3 =	sadd.s32 s3, s9;
	s6 =	sadd.s32 @!p0 $0x88, s6;
	s7 =	simm.s32 @p2 $0x1082  }
0x22: {  	[simem:s7], [sflag:s8] =	dma.local @!p0 [hbm:s6], $0xF7A  }
0x23: {  	s9 =	sor.u32 $0xD0000000, s2;
	s6 =	simm.s32 $0x108;
	_ =	swait.ge @!p0 [sflag:s8], $0x0  }
0x24: {  	s3 =	sadd.s32 $0x88, s3;
	s6 =	simm.s32 @!p1 $0x1082;
	[sflag:s4] =	ssyncset.s32 $0xFFFFF086  }
0x25: {  	[simem:s6], [sflag:s4] =	dma.local [hbm:s3], $0xF7A  }
0x26: {  	[smem:$0x3F91] =	sst s1;
	(tag) =	ssettag s2;
	_ =	strace s9  }
0x27: {  	s1 =	sld [smem:$0x3FA1]  }
0x28: {  	s2 =	sld [smem:$0x3FA2]  }
0x29: {  	s4 =	sld [smem:$0x3FA4]  }
0x2a: {  	p0 =	seq.s32 s5, $0x0;
	s5 =	sld [smem:$0x3FA5]  }
0x2b: {  	s6 =	sld [smem:$0x3FA6]  }
0x2c: {  	s7 =	sld [smem:$0x3FA7]  }
0x2d: {  	s3 =	simm.s32 $0x108;
	s8 =	sld [smem:$0x3FA8]  }
0x2e: {  	s3 =	simm.s32 @!p0 $0x1082;
	s9 =	sld [smem:$0x3FA9]  }
0x2f: {  	lr =	sadd.s32 s0, s3;
	s0 =	sld [smem:$0x3FA0]  }
0x30: {  	s3 =	sld [smem:$0x3FA3]  }
0x31: {  	[smem:$0x3FAC] =	sst s10  }
0x32: {  	s10 =	sld [smem:$0x3FAA];
	_ =	sdelay $0x3  }
0x33: {  	p0 =	seq.s32 s10, $0x1;
	s10 =	sld [smem:$0x3FAC];
	_ =	sdelay $0x3  }
0x34: {  	[smem:$0x3FAC] =	sst s10  }
0x35: {  	s10 =	sld [smem:$0x3FAB];
	_ =	sdelay $0x3  }
0x36: {  	p1 =	seq.s32 s10, $0x1;
	s10 =	sld [smem:$0x3FAC];
	_ =	sdelay $0x3  }
0x37: {  	[smem:$0x3FAC] =	sst s10  }
0x38: {  	s10 =	sld [smem:$0x3FAD]  }
0x39: {  	_ = 	snop;
	(pc) =	sbr.ind lr, $3  }
0x3a: {  	_ = 	snop  }
0x3b: {  	_ = 	snop  }
0x3c: {  	p2 =	seq.s32 s10, $0x1;
	s10 =	sld [smem:$0x3FAC]  }
0x3d: {  	_ =	shalt  }
0x3e: {  	_ =	shalt  }
0x3f: {  	_ =	shalt  }
0x40: {  	_ =	shalt  }
0x41: {  	_ =	shalt  }
0x42: {  	_ =	shalt  }
0x43: {  	_ =	shalt  }
0x44: {  	_ =	shalt  }
0x45: {  	_ =	shalt  }
0x46: {  	_ =	shalt  }
0x47: {  	_ =	shalt  }
0x48: {  	_ =	shalt  }
0x49: {  	_ =	shalt  }
0x4a: {  	_ =	shalt  }
0x4b: {  	_ =	shalt  }
0x4c: {  	_ =	shalt  }
0x4d: {  	_ =	shalt  }
0x4e: {  	_ =	shalt  }
0x4f: {  	_ =	shalt  }
0x50: {  	_ =	shalt  }
0x51: {  	_ =	shalt  }
0x52: {  	_ =	shalt  }
0x53: {  	_ =	shalt  }
0x54: {  	_ =	shalt  }
0x55: {  	_ =	shalt  }
0x56: {  	_ =	shalt  }
0x57: {  	_ =	shalt  }
0x58: {  	_ =	shalt  }
0x59: {  	_ =	shalt  }
0x5a: {  	_ =	shalt  }
0x5b: {  	_ =	shalt  }
0x5c: {  	_ =	shalt  }
0x5d: {  	_ =	shalt  }
0x5e: {  	_ =	shalt  }
0x5f: {  	_ =	shalt  }
0x60: {  	_ =	shalt  }
0x61: {  	_ =	shalt  }
0x62: {  	_ =	shalt  }
0x63: {  	_ =	shalt  }
0x64: {  	_ =	shalt  }
0x65: {  	_ =	shalt  }
0x66: {  	_ =	shalt  }
0x67: {  	_ =	shalt  }
0x68: {  	_ =	shalt  }
0x69: {  	_ =	shalt  }
0x6a: {  	_ =	shalt  }
0x6b: {  	_ =	shalt  }
0x6c: {  	_ =	shalt  }
0x6d: {  	_ =	shalt  }
0x6e: {  	_ =	shalt  }
0x6f: {  	_ =	shalt  }
0x70: {  	_ =	shalt  }
0x71: {  	_ =	shalt  }
0x72: {  	_ =	shalt  }
0x73: {  	_ =	shalt  }
0x74: {  	_ =	shalt  }
0x75: {  	_ =	shalt  }
0x76: {  	_ =	shalt  }
0x77: {  	_ =	shalt  }
0x78: {  	_ =	shalt  }
0x79: {  	_ =	shalt  }
0x7a: {  	_ =	shalt  }
0x7b: {  	_ =	shalt  }
0x7c: {  	_ =	shalt  }
0x7d: {  	_ =	shalt  }
0x7e: {  	_ =	shalt  }
0x7f: {  	_ =	shalt  }
0x80: {  	_ =	shalt  }
0x81: {  	_ =	shalt  }
0x82: {  	_ =	shalt  }
0x83: {  	_ =	shalt  }
0x84: {  	_ =	shalt  }
0x85: {  	_ =	shalt  }
0x86: {  	_ =	shalt  }
0x87: {  	_ =	shalt  }
.Lfunc_end0:
.L_simem_size_0:
called_computation.2_lowered:
.L_overlay_start_0:
0x88: {  	s2 =	sld [smem:$0x3FD9]  }
0x89: {  	s3 =	sld [smem:$0x3FFE];
	_ =	sdelay $0x1  }
0x8a: {  	s1 =	srdreg.scid  }
0x8b: {  	s0 =	sand.u32 $0x1, s1  }
0x8c: {  	s16 =	sshll.u32 s0, $0xA;
	s2 =	sadd.s32 s3, s2  }
0x8d: {  	s2 =	sadd.s32 s2, s16  }
0x8e: {  	[smem:$0x3FB8] =	sst s2  }
0x8f: {  	_ = 	snop  }
0x90: {  	(tm) =	ssettm $0x1  }
0x91: {  	s17 =	sld [smem:$0x3FFB];
	_ =	sdelay $0x3  }
0x92: {  	_ =	strace s17  }
0x93: {  	s2 =	sld [smem:$0x3FFC];
	_ =	sdelay $0x3  }
0x94: {  	_ =	strace s2  }
0x95: {  	s2 =	sld [smem:$0x3FFD];
	_ =	sdelay $0x3  }
0x96: {  	_ =	strace s2  }
0x97: {  	_ =	strace $0x8FFFFFFF  }
0x98: {  	s18 =	sld [smem:$0x3FDB];
	_ =	sdelay $0x1  }
0x99: {  	s19 =	simm.s32 $_scs_section_size  }
0x9a: {  	s4 =	simm.s32 $_size__tile_overlayer_lowered;
	s5 =	simm.s32 $_tile_overlayer_lowered  }
0x9b: {  	s22 =	simm.s32 $0x1BFF;
	s21 =	sshll.u32 s5, $0x1;
	s2 =	sadd.s32 s19, s18  }
0x9c: {  	s6 =	simm.s32 $0x0;
	s20 =	sshll.u32 s4, $0x1;
	s4 =	sadd.s32 s21, s2  }
0x9d: {  	[timem:s6], [sflag:s22] =	dma.local [hbm:s4], s20  }
0x9e: {  	_ =	swait.ge [sflag:s22], s20  }
0x9f: {  	s3 =	ssub.s32 $0x0, s20;
	[sflag:s22] =	ssyncset.done $0x0  }
0xa0: {  	[sflag:s22] =	ssyncadd.s32 s3;
	_ =	sdelay $0x1  }
0xa1: {  	s23 =	simm.s32 $0x1B8B  }
0xa2: {  	_ =	swait.ge [sflag:s23], $0x1  }
0xa3: {  	[sflag:s23] =	ssyncset.done $0x0  }
0xa4: {  	s25 =	simm.s32 $0x1B8E;
	s24 =	sld [smem:$0x3FFE];
	[sflag:s23] =	ssyncadd.s32 $0xFFFFFFFF  }
0xa5: {  	s26 =	simm.s32 $execute0_lowered;
	[smem:$0x3FD2] =	sst s25  }
0xa6: {  	s4 =	sshll.u32 s26, $0x1;
	_ =	strace $0x8000004C;
	[dreg:$0x1] =	wrdreg $0xFFFFFFFF  }
0xa7: {  	s28 =	simm.s32 $_size_execute0_lowered;
	s2 =	sadd.s32 s2, s4;
	[dreg:$0x0] =	wrdreg $0x0  }
0xa8: {  	s4 =	sshll.u32 s28, $0x1;
	[dreg:$0x2] =	wrdreg s2  }
0xa9: {  	[dreg:$0x3] =	wrdreg s4  }
0xaa: {  	[dreg:$0x4] =	wrdreg $0xC0  }
0xab: {  	_ =	task [dreg:s6], $0x5FFFF  }
0xac: {  	[dreg:$0x1] =	wrdreg $0xFFFFFFFF  }
0xad: {  	[dreg:$0x0] =	wrdreg $0x60  }
0xae: {  	[dreg:$0x2] =	wrdreg s24  }
0xaf: {  	[dreg:$0x3] =	wrdreg $0xA8000  }
0xb0: {  	[dreg:$0x4] =	wrdreg $0x9  }
0xb1: {  	_ =	task.clear_ibuf [dreg:s6], $0x5FFFF;
	_ =	strace $0x9000004C  }
0xb2: {  	s29 =	simm.s32 $0x9;
	_ =	strace $0x8000004E  }
0xb3: {  	_ =	swait.ge [sflag:s29], $0x1  }
0xb4: {  	[sflag:s29] =	ssyncadd.s32 $0xFFFFFFFF  }
0xb5: {  	_ =	strace $0x9000004E  }
0xb6: {  	_ =	sfence  }
0xb7: {  	s30 =	sld [smem:$0x0];
	_ =	sdelay $0x2  }
0xb8: {  	s31 =	sshll.u32 s1, $0xD;
	s1 =	sshrl.u32 s1, $0x2  }
0xb9: {  	s3 =	sand.u32 $0x4000, s31;
	s1 =	sadd.s32 s1, s30  }
0xba: {  	s0 =	sor.u32 s3, s0;
	s1 =	sshll.u32 s1, $0x11  }
0xbb: {  	s0 =	sor.u32 s1, s0  }
0xbc: {  	s0 =	sadd.s32 $0x8F2B, s0  }
0xbd: {  	[sflag:s0] =	ssyncadd.remote.s32 $0x1  }
0xbe: {  	_ =	sfence.sel $0xFFFF  }
0xbf: {  	[dreg:$0x0] =	wrdreg $0xFFFFFFFF;
	(pc) =	sbr.abs _section_cstart, $3  }
0xc0: {  	[dreg:$0x1] =	wrdreg $0xFFFFFFFF  }
0xc1: {  	_ =	task.clear_ibuf [dreg:s6], $0x2FFFF;
	_ =	strace $0x9FFFFFFF  }
0xc2: {  	(tm) =	ssettm $0x7FFFFFFF  }
0xc3: {  	_ =	shalt  }
tec
execute0_lowered:
.L_overlay_start_1:
0x0: {  	(tag) =	ssettag $0x1  }
0x1: {  	s6 =	rddreg [dreg:$0x0]  }
0x2: {  	s1 =	rddreg [dreg:$0x1];
	s2 =	srdreg.scid  }
0x3: {  	s0 =	rddreg [dreg:$0x2];
	s3 =	simm.s32 $0x0;
	s16 =	simm.s32 $0x80  }
0x4: {  	s17 =	simm.s32 $0x2800;
	s18 =	simm.s32 $0x6800;
	s19 =	simm.s32 $0x1  }
0x5: {  	s20 =	simm.s32 $0x2;
	s21 =	simm.s32 $0x1480;
	s22 =	simm.s32 $0x3  }
0x6: {  	s23 =	simm.s32 $0x100;
	s24 =	simm.s32 $0x4;
	s25 =	simm.s32 $0x0  }
0x7: {  	s7 =	sand.u32 $0x1, s2;
	s2 =	stileid.u32;
	[smem:$0x7FF] =	sst s3  }
0x8: {  	s4 =	sadd.s32 $0x19A00, s6;
	s11 =	sadd.s32 $0x3200, s6;
	s5 =	smul.u32 $0x13C000, s7  }
0x9: {  	s12 =	sadd.s32 $0xD200, s6;
	s8 =	smul.u32 $0x13C00, s2;
	_ =	strace $0x8000004D  }
0xa: {  	s9 =	ssub.s32 $0x2, s7;
	s7 =	sshll.u32 s7, $0x4;
	s10 =	smul.u32 $0x4F000, s2  }
0xb: {  	s13 =	sshll.u32 s2, $0x6;
	s30 =	sshrl.u32 s9, $0x1;
	s7 =	sor.u32 s2, s7  }
0xc: {  	s8 =	sadd.s32 s8, s5;
	s5 =	sadd.s32 $0x17200, s6;
	s10 =	sshrl.u32 s10, $0x2  }
0xd: {  	s14 =	smul.u32 $0x2800, s7;
	s9 =	ssub.s32 s9, s30;
	s8 =	sshrl.u32 s8, $0x3  }
.Ltmp0:
0xe: {  	s15 =	sadd.s32 s10, s1;
	s8 =	sadd.s32 s8, s6;
	(pc) =	sbr.rel .LBB2_1-.Ltmp0, $4  }
0xf: {  	s6 =	sor.u32 $0x1C05, s13;
	s31 =	sshrl.u32 s14, $0x3;
	s14 =	simm.s32 $0x5  }
0x10: {  	s7 =	sadd.s32 $0xBAA00, s8;
	s8 =	smax.u32 s9, $0x1;
	s13 =	sadd.s32 $0x280, s31  }
0x11: {  	s9 =	sadd.s32 s11, s31;
	s10 =	sadd.s32 s12, s31;
	s11 =	sadd.s32 s11, s13  }
0x12: {  	s12 =	sadd.s32 s12, s13;
	s13 =	sshrl.u32 s15, $0x3;
	s15 =	simm.s32 $0x1400  }
.LBB2_7:
0x13: {  	_ =	swait.ge [sflag:s24], $0x4000  }
0x14: {  	s25 =	sadd.s32 $0x1, s25;
	[sflag:s24] =	ssyncset.done $0x0  }
0x15: {  	p0 =	sne.s32 s25, s8;
	[sflag:s24] =	ssyncadd.s32 $0xFFFFC000  }
.Ltmp1:
0x16: {  	[bflag:$0x0] =	sbarrier.arrive $0xFFFF;
	(pc) =	sbr.rel @!p0 .LBB2_8-.Ltmp1, $4  }
0x17: {  	[hbm:s7], [sflag:s6] =	dma.local [spmem:s13], $0x2780  }
0x18: {  	_ =	swait.ge [sflag:s14], $0x2780  }
0x19: {  	[sflag:s14] =	ssyncset.done $0x0  }
0x1a: {  	[sflag:s14] =	ssyncadd.s32 $0xFFFFD880  }
.LBB2_1:
0x1b: {  	[spmem:s13], [sflag:s6] =	dma.local [hbm:s5], $0x2780  }
0x1c: {  	_ =	swait.ge [sflag:s14], $0x2780  }
0x1d: {  	[sflag:s14] =	ssyncset.done $0x0  }
0x1e: {  	[sflag:s14] =	ssyncadd.s32 $0xFFFFD880  }
0x1f: {  	[bflag:$0x0] =	sbarrier.arrive $0xFFFF  }
0x20: {  	[tilespmem:s3], [sflag:$0x5] =	stream.linear.gather [hbm4b:s9+s3], $0x1400, $0x38;
	[tilespmem:$0x1E400] =	vst v63  }
0x21: {  	_ =	swait.ge [sflag:s14], $0x1400  }
0x22: {  	[sflag:s14] =	ssyncset.done $0x0  }
0x23: {  	[sflag:s14] =	ssyncadd.s32 $0xFFFFEC00  }
0x24: {  	[tilespmem:s15], [sflag:$0x5] =	stream.linear.gather [hbm4b:s10+s3], $0x1400, $0x38;
	[tilespmem:$0x1E400] =	vst v63  }
0x25: {  	_ =	swait.ge [sflag:s14], $0x1400  }
0x26: {  	[sflag:s14] =	ssyncset.done $0x0  }
0x27: {  	[sflag:s14] =	ssyncadd.s32 $0xFFFFEC00  }
0x28: {  	[tilespmem:s17], [sflag:$0x1] =	stream.indirect.gather [hbm4b:s4+s16], $0x80, s3, s16, $0xb8;
	[tilespmem:$0x1E400] =	vst v63  }
0x29: {  	_ = 	snop  }
0x2a: {  	[tilespmem:s18], [sflag:$0x2] =	stream.indirect.gather [hbm4b:s4+s16], $0x80, s16, s16, $0xb8;
	[tilespmem:$0x1E400] =	vst v63  }
0x2b: {  	_ =	swait.ge [sflag:s19], $0x4000  }
0x2c: {  	[sflag:s19] =	ssyncset.done $0x0  }
0x2d: {  	[sflag:s19] =	ssyncadd.s32 $0xFFFFC000  }
0x2e: {  	[spmem:s1] =	stream.indirect.scatter.add.f32 [tilespmem:s17], [sflag:$0x3], $0x80, s15, s16, $0xb8;
	[tilespmem:$0x1E400] =	vst v63  }
0x2f: {  	_ =	swait.ge [sflag:s20], $0x4000  }
0x30: {  	[sflag:s20] =	ssyncset.done $0x0  }
0x31: {  	[sflag:s20] =	ssyncadd.s32 $0xFFFFC000  }
0x32: {  	[spmem:s1] =	stream.indirect.scatter.add.f32 [tilespmem:s18], [sflag:$0x4], $0x80, s21, s16, $0xb8;
	[tilespmem:$0x1E400] =	vst v63  }
0x33: {  	_ =	swait.ge [sflag:s22], $0x4000  }
0x34: {  	[sflag:s22] =	ssyncset.done $0x0  }
0x35: {  	s26 =	simm.s32 $0xFFFFB800;
	[sflag:s22] =	ssyncadd.s32 $0xFFFFC000  }
0x36: {  	[tilespmem:s17], [sflag:$0x1] =	stream.indirect.gather [hbm4b:s4+s16], $0x80, s23, s16, $0xb8;
	[tilespmem:$0x1E400] =	vst v63  }
.LBB2_2:
0x37: {  	_ =	swait.ge [sflag:s24], $0x4000  }
0x38: {  	s28 =	sshra.s32 s26, $0x2;
	[sflag:s24] =	ssyncset.done $0x0  }
0x39: {  	s29 =	sadd.s32 $0x1380, s28;
	[sflag:s24] =	ssyncadd.s32 $0xFFFFC000  }
0x3a: {  	[tilespmem:s18], [sflag:$0x2] =	stream.indirect.gather [hbm4b:s4+s16], $0x80, s29, s16, $0xb8;
	[tilespmem:$0x1E400] =	vst v63  }
0x3b: {  	_ =	swait.ge [sflag:s19], $0x4000  }
0x3c: {  	[sflag:s19] =	ssyncset.done $0x0  }
0x3d: {  	s30 =	sadd.s32 $0x2700, s28;
	[sflag:s19] =	ssyncadd.s32 $0xFFFFC000  }
0x3e: {  	[spmem:s1] =	stream.indirect.scatter.add.f32 [tilespmem:s17], [sflag:$0x3], $0x80, s30, s16, $0xb8;
	[tilespmem:$0x1E400] =	vst v63  }
0x3f: {  	_ =	swait.ge [sflag:s20], $0x4000  }
0x40: {  	p0 =	seq.s32 s26, $0x0;
	[sflag:s20] =	ssyncset.done $0x0  }
.Ltmp2:
0x41: {  	s31 =	sadd.s32 $0x2780, s28;
	[sflag:s20] =	ssyncadd.s32 $0xFFFFC000;
	(pc) =	sbr.rel @p0 .LBB2_4-.Ltmp2, $4  }
0x42: {  	[spmem:s1] =	stream.indirect.scatter.add.f32 [tilespmem:s18], [sflag:$0x4], $0x80, s31, s16, $0xb8;
	[tilespmem:$0x1E400] =	vst v63  }
0x43: {  	_ =	swait.ge [sflag:s22], $0x4000  }
0x44: {  	[sflag:s22] =	ssyncset.done $0x0  }
0x45: {  	[sflag:s22] =	ssyncadd.s32 $0xFFFFC000  }
.Ltmp3:
0x46: {  	(pc) =	sbr.rel .LBB2_2-.Ltmp3, $3  }
0x47: {  	_ =	sdelay $0x1  }
0x48: {  	s28 =	sadd.s32 $0x1400, s28;
	s26 =	sadd.s32 $0x400, s26  }
0x49: {  	[tilespmem:s17], [sflag:$0x1] =	stream.indirect.gather [hbm4b:s4+s16], $0x80, s28, s16, $0xb8;
	[tilespmem:$0x1E400] =	vst v63  }
.LBB2_4:
0x4a: {  	_ =	swait.ge [sflag:s24], $0x4000  }
0x4b: {  	[sflag:s24] =	ssyncset.done $0x0  }
0x4c: {  	[sflag:s24] =	ssyncadd.s32 $0xFFFFC000  }
0x4d: {  	[tilespmem:s3], [sflag:$0x5] =	stream.linear.gather [hbm4b:s11+s3], $0x1400, $0x38;
	[tilespmem:$0x1E400] =	vst v63  }
0x4e: {  	_ =	swait.ge [sflag:s14], $0x1400  }
0x4f: {  	[sflag:s14] =	ssyncset.done $0x0  }
0x50: {  	[sflag:s14] =	ssyncadd.s32 $0xFFFFEC00  }
0x51: {  	[tilespmem:s15], [sflag:$0x5] =	stream.linear.gather [hbm4b:s12+s3], $0x1400, $0x38;
	[tilespmem:$0x1E400] =	vst v63  }
0x52: {  	_ =	swait.ge [sflag:s14], $0x1400  }
0x53: {  	[sflag:s14] =	ssyncset.done $0x0  }
0x54: {  	[sflag:s14] =	ssyncadd.s32 $0xFFFFEC00  }
0x55: {  	[tilespmem:s17], [sflag:$0x1] =	stream.indirect.gather [hbm4b:s4+s16], $0x80, s3, s16, $0xb8;
	[tilespmem:$0x1E400] =	vst v63  }
0x56: {  	_ = 	snop  }
0x57: {  	[tilespmem:s18], [sflag:$0x2] =	stream.indirect.gather [hbm4b:s4+s16], $0x80, s16, s16, $0xb8;
	[tilespmem:$0x1E400] =	vst v63  }
0x58: {  	_ =	swait.ge [sflag:s19], $0x4000  }
0x59: {  	[sflag:s19] =	ssyncset.done $0x0  }
0x5a: {  	[sflag:s19] =	ssyncadd.s32 $0xFFFFC000  }
0x5b: {  	[spmem:s1] =	stream.indirect.scatter.add.f32 [tilespmem:s17], [sflag:$0x3], $0x80, s15, s16, $0xb8;
	[tilespmem:$0x1E400] =	vst v63  }
0x5c: {  	_ =	swait.ge [sflag:s20], $0x4000  }
0x5d: {  	[sflag:s20] =	ssyncset.done $0x0  }
0x5e: {  	[sflag:s20] =	ssyncadd.s32 $0xFFFFC000  }
0x5f: {  	[spmem:s1] =	stream.indirect.scatter.add.f32 [tilespmem:s18], [sflag:$0x4], $0x80, s21, s16, $0xb8;
	[tilespmem:$0x1E400] =	vst v63  }
0x60: {  	_ =	swait.ge [sflag:s22], $0x4000  }
0x61: {  	[sflag:s22] =	ssyncset.done $0x0  }
0x62: {  	s26 =	simm.s32 $0xFFFFB800;
	[sflag:s22] =	ssyncadd.s32 $0xFFFFC000  }
0x63: {  	[tilespmem:s17], [sflag:$0x1] =	stream.indirect.gather [hbm4b:s4+s16], $0x80, s23, s16, $0xb8;
	[tilespmem:$0x1E400] =	vst v63  }
.LBB2_5:
0x64: {  	_ =	swait.ge [sflag:s24], $0x4000  }
0x65: {  	s28 =	sshra.s32 s26, $0x2;
	[sflag:s24] =	ssyncset.done $0x0  }
0x66: {  	s29 =	sadd.s32 $0x1380, s28;
	[sflag:s24] =	ssyncadd.s32 $0xFFFFC000  }
0x67: {  	[tilespmem:s18], [sflag:$0x2] =	stream.indirect.gather [hbm4b:s4+s16], $0x80, s29, s16, $0xb8;
	[tilespmem:$0x1E400] =	vst v63  }
0x68: {  	_ =	swait.ge [sflag:s19], $0x4000  }
0x69: {  	[sflag:s19] =	ssyncset.done $0x0  }
0x6a: {  	s30 =	sadd.s32 $0x2700, s28;
	[sflag:s19] =	ssyncadd.s32 $0xFFFFC000  }
0x6b: {  	[spmem:s1] =	stream.indirect.scatter.add.f32 [tilespmem:s17], [sflag:$0x3], $0x80, s30, s16, $0xb8;
	[tilespmem:$0x1E400] =	vst v63  }
0x6c: {  	_ =	swait.ge [sflag:s20], $0x4000  }
0x6d: {  	p0 =	seq.s32 s26, $0x0;
	[sflag:s20] =	ssyncset.done $0x0  }
.Ltmp4:
0x6e: {  	s31 =	sadd.s32 $0x2780, s28;
	[sflag:s20] =	ssyncadd.s32 $0xFFFFC000;
	(pc) =	sbr.rel @p0 .LBB2_7-.Ltmp4, $4  }
0x6f: {  	[spmem:s1] =	stream.indirect.scatter.add.f32 [tilespmem:s18], [sflag:$0x4], $0x80, s31, s16, $0xb8;
	[tilespmem:$0x1E400] =	vst v63  }
0x70: {  	_ =	swait.ge [sflag:s22], $0x4000  }
0x71: {  	[sflag:s22] =	ssyncset.done $0x0  }
0x72: {  	[sflag:s22] =	ssyncadd.s32 $0xFFFFC000  }
.Ltmp5:
0x73: {  	(pc) =	sbr.rel .LBB2_5-.Ltmp5, $3  }
0x74: {  	_ =	sdelay $0x1  }
0x75: {  	s28 =	sadd.s32 $0x1400, s28;
	s26 =	sadd.s32 $0x400, s26  }
0x76: {  	[tilespmem:s17], [sflag:$0x1] =	stream.indirect.gather [hbm4b:s4+s16], $0x80, s28, s16, $0xb8;
	[tilespmem:$0x1E400] =	vst v63  }
.LBB2_8:
0x77: {  	_ =	sfence.sel $0x180000  }
0x78: {  	[bflag:$0x0] =	sbarrier.arrive $0xFFFF  }
0x79: {  	p0 =	sne.s32 s2, $0x0;
	_ =	strace $0x9000004D  }
0x7a: {  	s0 =	sadd.s32 @!p0 $0x100000, s0;
	[bflag:$0x2] =	sbarrier.arrive $0xFFFF  }
0x7b: {  	[sflag:s0] =	ssyncadd.tile.s32 @!p0 $0x1;
	_ =	shalt  }
.Lfunc_end2:
_tile_overlayer_lowered:
.L_overlay_start_2:
0x7c: {  	(tag) =	ssettag $0x2  }
0x7d: {  	s0 =	rddreg [dreg:$0x0];
	s2 =	stileid.u32  }
0x7e: {  	s1 =	rddreg [dreg:$0x1];
	p0 =	sne.s32 s2, $0x0  }
0x7f: {  	s3 =	rddreg [dreg:$0x2];
	[bflag:$0x3] =	sbarrier.arrive $0xFFFF;
	s2 =	simm.s32 @!p0 $0x1C05  }
0x80: {  	[timem:s3], [sflag:s2] =	dma.local @!p0 [hbm:s0], s1  }
0x81: {  	s0 =	simm.s32 @!p0 $0x5  }
0x82: {  	_ =	swait.ge @!p0 [sflag:s0], s1  }
0x83: {  	s1 =	ssub.s32 @!p0 $0x0, s1;
	[sflag:s0] =	ssyncset.done @!p0 $0x0  }
0x84: {  	[sflag:s0] =	ssyncadd.s32 @!p0 s1  }
0x85: {  	[bflag:$0x3] =	sbarrier.arrive $0xFFFF  }
0x86: {  	_ =	shalt  }

// kernel: kernel.7.cloned.1.call-start
scs
__scs_entry_jumppad:
0x0: {  	(pc) =	sbr.rel $0x88, $3  }
0x1: {  	(tag) =	ssettag $0x0;
	lr =	simm.s32 $0x1  }
0x2: {  	[smem:$0x3F91] =	sst lr;
	_ =	strace $0xD0000000  }
0x3: {  	_ = 	snop  }
0x4: {  	_ = 	snop  }
0x5: {  	_ = 	snop  }
0x6: {  	_ = 	snop  }
0x7: {  	_ = 	snop  }
__scs_overlays_trampoline_lowered:
0x8: {  	[smem:$0x3FA0] =	sst s0  }
0x9: {  	[smem:$0x3FA1] =	sst s1  }
0xa: {  	[smem:$0x3FA2] =	sst s2  }
0xb: {  	[smem:$0x3FA3] =	sst s3  }
0xc: {  	[smem:$0x3FA4] =	sst s4  }
0xd: {  	[smem:$0x3FA5] =	sst s5  }
0xe: {  	[smem:$0x3FA6] =	sst s6  }
0xf: {  	[smem:$0x3FA7] =	sst s7  }
0x10: {  	[smem:$0x3FA8] =	sst s8  }
0x11: {  	[smem:$0x3FA9] =	sst s9;
	s0 =	simm.s32 @!p0 $0x0  }
0x12: {  	s1 =	sld [smem:$0x3F8F];
	s0 =	simm.s32 @p0 $0x1  }
0x13: {  	[smem:$0x3FAA] =	sst s0;
	s0 =	simm.s32 @!p1 $0x0  }
0x14: {  	s2 =	sld [smem:$0x3F8E];
	s0 =	simm.s32 @p1 $0x1  }
0x15: {  	[smem:$0x3FAB] =	sst s0;
	s0 =	simm.s32 @!p2 $0x0  }
0x16: {  	s3 =	sld [smem:$0x3FDB];
	s0 =	simm.s32 @p2 $0x1  }
0x17: {  	s4 =	simm.s32 $0x1BF5;
	[smem:$0x3FAD] =	sst s0  }
0x18: {  	s0 =	sld [smem:$0x3F90];
	_ =	swait.ge [sflag:s4], $0x0  }
0x19: {  	s7 =	sld [smem:$0x3F91]  }
0x1a: {  	s8 =	sadd.s32 $0xFFFFE003, lr  }
0x1b: {  	s9 =	sadd.s32 $0xFFFFFEF7, lr;
	s5 =	simm.s32 $0xFFFFFFFF;
	p2 =	slt.u32 s8, $0xFFFFF086  }
0x1c: {  	p1 =	slt.u32 s9, $0xF7A;
	s5 =	simm.s32 @!p2 $0x0  }
0x1d: {  	s5 =	simm.s32 @p1 $0x1;
	p0 =	seq.s32 s7, s2  }
0x1e: {  	s7 =	smul.u32 @!p0 $0xF7A, s2;
	p2 =	seq.s32 @!p0 s5, $0x0  }
0x1f: {  	s9 =	smul.u32 $0xF7A, s1;
	s8 =	simm.s32 @!p0 $0x1BF5;
	p2 =	por !p2, p0  }
0x20: {  	[sflag:s8] =	ssyncset.s32 @!p0 $0xFFFFF086;
	s6 =	sadd.s32 @!p0 s3, s7;
	s7 =	simm.s32 @!p0 $0x108  }
0x21: {  	s3 =	sadd.s32 s3, s9;
	s6 =	sadd.s32 @!p0 $0x88, s6;
	s7 =	simm.s32 @p2 $0x1082  }
0x22: {  	[simem:s7], [sflag:s8] =	dma.local @!p0 [hbm:s6], $0xF7A  }
0x23: {  	s9 =	sor.u32 $0xD0000000, s2;
	s6 =	simm.s32 $0x108;
	_ =	swait.ge @!p0 [sflag:s8], $0x0  }
0x24: {  	s3 =	sadd.s32 $0x88, s3;
	s6 =	simm.s32 @!p1 $0x1082;
	[sflag:s4] =	ssyncset.s32 $0xFFFFF086  }
0x25: {  	[simem:s6], [sflag:s4] =	dma.local [hbm:s3], $0xF7A  }
0x26: {  	[smem:$0x3F91] =	sst s1;
	(tag) =	ssettag s2;
	_ =	strace s9  }
0x27: {  	s1 =	sld [smem:$0x3FA1]  }
0x28: {  	s2 =	sld [smem:$0x3FA2]  }
0x29: {  	s4 =	sld [smem:$0x3FA4]  }
0x2a: {  	p0 =	seq.s32 s5, $0x0;
	s5 =	sld [smem:$0x3FA5]  }
0x2b: {  	s6 =	sld [smem:$0x3FA6]  }
0x2c: {  	s7 =	sld [smem:$0x3FA7]  }
0x2d: {  	s3 =	simm.s32 $0x108;
	s8 =	sld [smem:$0x3FA8]  }
0x2e: {  	s3 =	simm.s32 @!p0 $0x1082;
	s9 =	sld [smem:$0x3FA9]  }
0x2f: {  	lr =	sadd.s32 s0, s3;
	s0 =	sld [smem:$0x3FA0]  }
0x30: {  	s3 =	sld [smem:$0x3FA3]  }
0x31: {  	[smem:$0x3FAC] =	sst s10  }
0x32: {  	s10 =	sld [smem:$0x3FAA];
	_ =	sdelay $0x3  }
0x33: {  	p0 =	seq.s32 s10, $0x1;
	s10 =	sld [smem:$0x3FAC];
	_ =	sdelay $0x3  }
0x34: {  	[smem:$0x3FAC] =	sst s10  }
0x35: {  	s10 =	sld [smem:$0x3FAB];
	_ =	sdelay $0x3  }
0x36: {  	p1 =	seq.s32 s10, $0x1;
	s10 =	sld [smem:$0x3FAC];
	_ =	sdelay $0x3  }
0x37: {  	[smem:$0x3FAC] =	sst s10  }
0x38: {  	s10 =	sld [smem:$0x3FAD]  }
0x39: {  	_ = 	snop;
	(pc) =	sbr.ind lr, $3  }
0x3a: {  	_ = 	snop  }
0x3b: {  	_ = 	snop  }
0x3c: {  	p2 =	seq.s32 s10, $0x1;
	s10 =	sld [smem:$0x3FAC]  }
0x3d: {  	_ =	shalt  }
0x3e: {  	_ =	shalt  }
0x3f: {  	_ =	shalt  }
0x40: {  	_ =	shalt  }
0x41: {  	_ =	shalt  }
0x42: {  	_ =	shalt  }
0x43: {  	_ =	shalt  }
0x44: {  	_ =	shalt  }
0x45: {  	_ =	shalt  }
0x46: {  	_ =	shalt  }
0x47: {  	_ =	shalt  }
0x48: {  	_ =	shalt  }
0x49: {  	_ =	shalt  }
0x4a: {  	_ =	shalt  }
0x4b: {  	_ =	shalt  }
0x4c: {  	_ =	shalt  }
0x4d: {  	_ =	shalt  }
0x4e: {  	_ =	shalt  }
0x4f: {  	_ =	shalt  }
0x50: {  	_ =	shalt  }
0x51: {  	_ =	shalt  }
0x52: {  	_ =	shalt  }
0x53: {  	_ =	shalt  }
0x54: {  	_ =	shalt  }
0x55: {  	_ =	shalt  }
0x56: {  	_ =	shalt  }
0x57: {  	_ =	shalt  }
0x58: {  	_ =	shalt  }
0x59: {  	_ =	shalt  }
0x5a: {  	_ =	shalt  }
0x5b: {  	_ =	shalt  }
0x5c: {  	_ =	shalt  }
0x5d: {  	_ =	shalt  }
0x5e: {  	_ =	shalt  }
0x5f: {  	_ =	shalt  }
0x60: {  	_ =	shalt  }
0x61: {  	_ =	shalt  }
0x62: {  	_ =	shalt  }
0x63: {  	_ =	shalt  }
0x64: {  	_ =	shalt  }
0x65: {  	_ =	shalt  }
0x66: {  	_ =	shalt  }
0x67: {  	_ =	shalt  }
0x68: {  	_ =	shalt  }
0x69: {  	_ =	shalt  }
0x6a: {  	_ =	shalt  }
0x6b: {  	_ =	shalt  }
0x6c: {  	_ =	shalt  }
0x6d: {  	_ =	shalt  }
0x6e: {  	_ =	shalt  }
0x6f: {  	_ =	shalt  }
0x70: {  	_ =	shalt  }
0x71: {  	_ =	shalt  }
0x72: {  	_ =	shalt  }
0x73: {  	_ =	shalt  }
0x74: {  	_ =	shalt  }
0x75: {  	_ =	shalt  }
0x76: {  	_ =	shalt  }
0x77: {  	_ =	shalt  }
0x78: {  	_ =	shalt  }
0x79: {  	_ =	shalt  }
0x7a: {  	_ =	shalt  }
0x7b: {  	_ =	shalt  }
0x7c: {  	_ =	shalt  }
0x7d: {  	_ =	shalt  }
0x7e: {  	_ =	shalt  }
0x7f: {  	_ =	shalt  }
0x80: {  	_ =	shalt  }
0x81: {  	_ =	shalt  }
0x82: {  	_ =	shalt  }
0x83: {  	_ =	shalt  }
0x84: {  	_ =	shalt  }
0x85: {  	_ =	shalt  }
0x86: {  	_ =	shalt  }
0x87: {  	_ =	shalt  }
.Lfunc_end0:
.L_simem_size_0:
called_computation_lowered:
.L_overlay_start_0:
0x88: {  	s2 =	sld [smem:$0x3FD9]  }
0x89: {  	s3 =	sld [smem:$0x3FFE];
	_ =	sdelay $0x1  }
0x8a: {  	s1 =	srdreg.scid  }
0x8b: {  	s0 =	sand.u32 $0x1, s1  }
0x8c: {  	s17 =	sshll.u32 s0, $0xA;
	s2 =	sadd.s32 s3, s2  }
0x8d: {  	s2 =	sadd.s32 s2, s17  }
0x8e: {  	[smem:$0x3FB8] =	sst s2  }
0x8f: {  	_ = 	snop  }
0x90: {  	(tm) =	ssettm $0x1  }
0x91: {  	s18 =	sld [smem:$0x3FFB];
	_ =	sdelay $0x3  }
0x92: {  	_ =	strace s18  }
0x93: {  	s2 =	sld [smem:$0x3FFC];
	_ =	sdelay $0x3  }
0x94: {  	_ =	strace s2  }
0x95: {  	s2 =	sld [smem:$0x3FFD];
	_ =	sdelay $0x3  }
0x96: {  	_ =	strace s2  }
0x97: {  	_ =	strace $0x8FFFFFFF  }
0x98: {  	s19 =	sld [smem:$0x3FDB];
	_ =	sdelay $0x1  }
0x99: {  	s20 =	simm.s32 $_scs_section_size  }
0x9a: {  	s4 =	simm.s32 $_size__tile_overlayer_lowered;
	s5 =	simm.s32 $_tile_overlayer_lowered  }
0x9b: {  	s6 =	simm.s32 $0x1BFF;
	s21 =	sshll.u32 s5, $0x1;
	s3 =	sadd.s32 s20, s19  }
0x9c: {  	s22 =	simm.s32 $0x0;
	s4 =	sshll.u32 s4, $0x1;
	s5 =	sadd.s32 s21, s3  }
0x9d: {  	[timem:s22], [sflag:s6] =	dma.local [hbm:s5], s4  }
0x9e: {  	_ =	swait.ge [sflag:s6], s4  }
0x9f: {  	s4 =	ssub.s32 $0x0, s4;
	[sflag:s6] =	ssyncset.done $0x0  }
0xa0: {  	[sflag:s6] =	ssyncadd.s32 s4;
	_ =	sdelay $0x1  }
0xa1: {  	s23 =	simm.s32 $0x1B8B  }
0xa2: {  	_ =	swait.ge [sflag:s23], $0x1  }
0xa3: {  	[sflag:s23] =	ssyncset.done $0x0  }
0xa4: {  	[sflag:s23] =	ssyncadd.s32 $0xFFFFFFFF  }
0xa5: {  	s4 =	sld [smem:$0x0]  }
0xa6: {  	s5 =	sand.u32 $0xFFFFFFFE, s1  }
0xa7: {  	p0 =	sne.s32 s1, s5  }
0xa8: {  	s5 =	sshll.u32 @p0 s5, $0xE  }
0xa9: {  	s5 =	sadd.s32 @p0 $0x11B8D, s5;
	s6 =	sshll.u32 @p0 s4, $0x11  }
0xaa: {  	s5 =	sor.u32 @p0 s6, s5  }
0xab: {  	[sflag:s5] =	ssyncadd.remote.s32 @p0 $0x1;
	_ =	sdelay $0x1  }
0xac: {  	s5 =	simm.s32 @p0 $0x1B8D  }
0xad: {  	_ =	swait.eq @p0 [sflag:s5], $0x1  }
0xae: {  	[sflag:s5] =	ssyncadd.s32 @p0 $0xFFFFFFFF  }
0xaf: {  	s6 =	sshll.u32 @!p0 s1, $0xE  }
0xb0: {  	s6 =	sor.u32 @!p0 $0x4000, s6;
	s5 =	simm.s32 @!p0 $0x1B8D  }
0xb1: {  	s4 =	sshll.u32 @!p0 s4, $0x11;
	s6 =	sadd.s32 @!p0 $0x11B8D, s6;
	_ =	swait.eq @!p0 [sflag:s5], $0x1  }
0xb2: {  	s4 =	sor.u32 @!p0 s4, s6;
	[sflag:s5] =	ssyncadd.s32 @!p0 $0xFFFFFFFF  }
0xb3: {  	s25 =	simm.s32 $0x1B8E;
	s24 =	sld [smem:$0x3FFE];
	[sflag:s4] =	ssyncadd.remote.s32 @!p0 $0x1  }
0xb4: {  	s26 =	simm.s32 $execute0_lowered;
	[smem:$0x3FD2] =	sst s25  }
0xb5: {  	s5 =	sshll.u32 s26, $0x1;
	_ =	strace $0x80000049;
	[dreg:$0x1] =	wrdreg $0xFFFFFFFF  }
0xb6: {  	s28 =	simm.s32 $_size_execute0_lowered;
	s3 =	sadd.s32 s3, s5;
	[dreg:$0x0] =	wrdreg $0x0  }
0xb7: {  	s5 =	sshll.u32 s28, $0x1;
	[dreg:$0x2] =	wrdreg s3  }
0xb8: {  	[dreg:$0x3] =	wrdreg s5  }
0xb9: {  	[dreg:$0x4] =	wrdreg $0xC0  }
0xba: {  	_ =	task [dreg:s22], $0x5FFFF  }
0xbb: {  	[dreg:$0x1] =	wrdreg $0xFFFFFFFF  }
0xbc: {  	[dreg:$0x0] =	wrdreg $0x60  }
0xbd: {  	[dreg:$0x2] =	wrdreg s24  }
0xbe: {  	[dreg:$0x3] =	wrdreg $0x68000  }
0xbf: {  	[dreg:$0x4] =	wrdreg $0x9  }
0xc0: {  	_ =	task.clear_ibuf [dreg:s22], $0x5FFFF;
	_ =	strace $0x90000049  }
0xc1: {  	s29 =	simm.s32 $0x9;
	_ =	strace $0x8000004B  }
0xc2: {  	_ =	swait.ge [sflag:s29], $0x1  }
0xc3: {  	[sflag:s29] =	ssyncadd.s32 $0xFFFFFFFF  }
0xc4: {  	_ =	strace $0x9000004B  }
0xc5: {  	_ =	sfence  }
0xc6: {  	s30 =	sld [smem:$0x0];
	_ =	sdelay $0x2  }
0xc7: {  	s31 =	sshll.u32 s1, $0xD;
	s1 =	sshrl.u32 s1, $0x2  }
0xc8: {  	s4 =	sand.u32 $0x4000, s31;
	s1 =	sadd.s32 s1, s30  }
0xc9: {  	s0 =	sor.u32 s4, s0;
	s1 =	sshll.u32 s1, $0x11  }
0xca: {  	s0 =	sor.u32 s1, s0  }
0xcb: {  	s0 =	sadd.s32 $0x8F2B, s0  }
0xcc: {  	[sflag:s0] =	ssyncadd.remote.s32 $0x1  }
0xcd: {  	_ =	sfence.sel $0xFFFF  }
0xce: {  	[dreg:$0x0] =	wrdreg $0xFFFFFFFF;
	(pc) =	sbr.abs _section_cstart, $3  }
0xcf: {  	[dreg:$0x1] =	wrdreg $0xFFFFFFFF  }
0xd0: {  	_ =	task.clear_ibuf [dreg:s22], $0x2FFFF;
	_ =	strace $0x9FFFFFFF  }
0xd1: {  	(tm) =	ssettm $0x7FFFFFFF  }
tec
execute0_lowered:
.L_overlay_start_1:
0x0: {  	(tag) =	ssettag $0x1  }
0x1: {  	s7 =	rddreg [dreg:$0x0]  }
0x2: {  	s0 =	srdreg.scid;
	s2 =	rddreg [dreg:$0x1];
	s3 =	simm.s32 $0x0  }
0x3: {  	s13 =	simm.s32 $0x80;
	s14 =	simm.s32 $0x1;
	s6 =	sand.u32 $0x1, s0  }
0x4: {  	s15 =	simm.s32 $0x0;
	s0 =	stileid.u32;
	s5 =	smul.u32 $0x13C000, s6  }
0x5: {  	[smem:$0x7FF] =	sst s3;
	s1 =	sshll.u32 s6, $0x4;
	s8 =	smul.u32 $0x13C00, s0  }
0x6: {  	s10 =	smul.u32 $0x4F000, s0;
	s6 =	ssub.s32 $0x2, s6;
	s1 =	sor.u32 s0, s1  }
0x7: {  	s11 =	sshll.u32 s0, $0x6;
	s31 =	sshrl.u32 s6, $0x1;
	s4 =	smul.u32 $0x500, s1  }
0x8: {  	s1 =	rddreg [dreg:$0x2];
	_ =	strace $0x8000004A;
	s5 =	sadd.s32 s8, s5  }
0x9: {  	s10 =	sshrl.u32 s10, $0x2;
	s12 =	ssub.s32 s6, s31;
	s6 =	sor.u32 $0x1C02, s11  }
0xa: {  	s11 =	simm.s32 $0x2;
	s8 =	sshrl.u32 s5, $0x3;
	s5 =	sadd.s32 $0x68A00, s7  }
0xb: {  	s10 =	sadd.s32 s10, s2;
	s9 =	sadd.s32 s4, s7;
	s4 =	sadd.s32 $0x69200, s7  }
0xc: {  	s8 =	sadd.s32 s8, s7;
	s10 =	sshrl.u32 s10, $0x3;
	s7 =	sadd.s32 $0xD200, s9  }
0xd: {  	s8 =	sadd.s32 $0x6BA00, s8;
	s9 =	smax.u32 s12, $0x1;
	s12 =	simm.s32 $0x2800  }
.LBB2_1:
0xe: {  	[spmem:s10], [sflag:s6] =	dma.local [hbm:s4], $0x2780  }
0xf: {  	_ =	swait.ge [sflag:s11], $0x2780  }
0x10: {  	[sflag:s11] =	ssyncset.done $0x0  }
0x11: {  	[sflag:s11] =	ssyncadd.s32 $0xFFFFD880  }
0x12: {  	[tilespmem:s12], [sflag:$0x2] =	stream.linear.gather [hbm4b:s5+s3], $0x4000, $0x38;
	[tilespmem:$0x8F80] =	vst v63  }
0x13: {  	_ =	swait.ge [sflag:s11], $0x4000  }
0x14: {  	[sflag:s11] =	ssyncset.done $0x0  }
0x15: {  	[sflag:s11] =	ssyncadd.s32 $0xFFFFC000  }
0x16: {  	[tilespmem:s3], [sflag:$0x2] =	stream.linear.gather [hbm4b:s7+s3], $0x2800, $0x38;
	[tilespmem:$0x8F80] =	vst v63  }
0x17: {  	_ =	swait.ge [sflag:s11], $0x2800  }
0x18: {  	[sflag:s11] =	ssyncset.done $0x0  }
0x19: {  	[sflag:s11] =	ssyncadd.s32 $0xFFFFD800  }
0x1a: {  	s16 =	simm.s32 $0x0;
	[bflag:$0x0] =	sbarrier.arrive $0xFFFF  }
.LBB2_2:
0x1b: {  	p0 =	sne.s32 s16, $0x9E00  }
.Ltmp0:
0x1c: {  	_ = 	snop;
	(pc) =	sbr.rel @p0 .LBB2_2-.Ltmp0, $3  }
0x1d: {  	_ =	sdelay $0x1  }
0x1e: {  	s17 =	sshra.s32 s16, $0x2;
	s16 =	sadd.s32 $0x200, s16  }
0x1f: {  	[spmem:s2] =	stream.indirect.scatter.add.f32 [tilespmem:s12], [sflag:$0x1], $0x10, s17, s13, $0xb8;
	[tilespmem:$0x8F80] =	vst v63  }
0x20: {  	_ =	swait.ge [sflag:s14], $0x800  }
0x21: {  	s16 =	simm.s32 $0x4F;
	[sflag:s14] =	ssyncset.done $0x0  }
.LBB2_4:
0x22: {  	p0 =	sne.s32 s16, $0x1;
	s16 =	sadd.s32 $0xFFFFFFFF, s16;
	[sflag:s14] =	ssyncadd.s32 $0xFFFFF800  }
.Ltmp1:
0x23: {  	(pc) =	sbr.rel @p0 .LBB2_4-.Ltmp1, $3  }
0x24: {  	_ =	sdelay $0x1  }
0x25: {  	_ =	swait.ge [sflag:s14], $0x800  }
0x26: {  	[sflag:s14] =	ssyncset.done $0x0  }
0x27: {  	s15 =	sadd.s32 $0x1, s15  }
0x28: {  	[sflag:s14] =	ssyncadd.s32 $0xFFFFF800;
	p0 =	sne.s32 s15, s9  }
.Ltmp2:
0x29: {  	[bflag:$0x0] =	sbarrier.arrive $0xFFFF;
	(pc) =	sbr.rel @p0 .LBB2_1-.Ltmp2, $4  }
0x2a: {  	[hbm:s8], [sflag:s6] =	dma.local [spmem:s10], $0x2780  }
0x2b: {  	_ =	swait.ge [sflag:s11], $0x2780  }
0x2c: {  	[sflag:s11] =	ssyncset.done $0x0  }
0x2d: {  	[sflag:s11] =	ssyncadd.s32 $0xFFFFD880  }
0x2e: {  	_ =	sfence.sel $0x180000  }
0x2f: {  	[bflag:$0x0] =	sbarrier.arrive $0xFFFF  }
0x30: {  	p0 =	sne.s32 s0, $0x0;
	_ =	strace $0x9000004A  }
0x31: {  	s0 =	sadd.s32 @!p0 $0x100000, s1;
	[bflag:$0x2] =	sbarrier.arrive $0xFFFF  }
0x32: {  	[sflag:s0] =	ssyncadd.tile.s32 @!p0 $0x1;
	_ =	shalt  }
.Lfunc_end2:
_tile_overlayer_lowered:
.L_overlay_start_2:
0x33: {  	(tag) =	ssettag $0x2  }
0x34: {  	s0 =	rddreg [dreg:$0x0];
	s2 =	stileid.u32  }
0x35: {  	s1 =	rddreg [dreg:$0x1];
	p0 =	sne.s32 s2, $0x0  }
0x36: {  	s3 =	rddreg [dreg:$0x2];
	[bflag:$0x3] =	sbarrier.arrive $0xFFFF;
	s2 =	simm.s32 @!p0 $0x1C02  }
0x37: {  	[timem:s3], [sflag:s2] =	dma.local @!p0 [hbm:s0], s1  }
0x38: {  	s0 =	simm.s32 @!p0 $0x2  }
0x39: {  	_ =	swait.ge @!p0 [sflag:s0], s1  }
0x3a: {  	s1 =	ssub.s32 @!p0 $0x0, s1;
	[sflag:s0] =	ssyncset.done @!p0 $0x0  }
0x3b: {  	[sflag:s0] =	ssyncadd.s32 @!p0 s1  }
0x3c: {  	[bflag:$0x3] =	sbarrier.arrive $0xFFFF  }
0x3d: {  	_ =	shalt  }

</sc_bundles>
